<compile_context>
chip_gen: v7x
topology: tpu7x:2x2x1
jax: 0.10.2.dev20260603
libtpu: 0.0.44.dev20260713+nightly
codegen_flags: <defaults>
</compile_context>

<pallas_src>
import functools

import jax
import jax.numpy as jnp
from jax import lax
from jax.experimental import pallas as pl
from jax.experimental.pallas import tpu as pltpu
from jax.experimental.pallas import tpu_sc as plsc

B, L, H = 4, 8192, 1024
N = B * L
NC, NS = 2, 16
NW = NC * NS
CH = 8
NBUF = 4
DEPTH = 3
VPR = H // 16


def _sc_lookup_add(xf, idx, emb, n_rows):
    rows_per_w = n_rows // NW
    nchunk = rows_per_w // CH
    mesh = plsc.VectorSubcoreMesh(core_axis_name="c", subcore_axis_name="s")

    @functools.partial(
        pl.kernel,
        out_type=jax.ShapeDtypeStruct((n_rows, H), jnp.float32),
        mesh=mesh,
        scratch_types=[
            pltpu.VMEM((rows_per_w,), jnp.int32),
            pltpu.VMEM((NBUF, CH, H), jnp.float32),
            pltpu.VMEM((NBUF, CH, H), jnp.float32),
            pltpu.SemaphoreType.DMA((NBUF,)),
            pltpu.SemaphoreType.DMA((NBUF,)),
            pltpu.SemaphoreType.DMA((NBUF,)),
        ],
    )
    def k(x_hbm, idx_hbm, emb_hbm, out_hbm, idx_v, rows_v, x_v,
          gsem, xsem, osem):
        wid = lax.axis_index("s") * NC + lax.axis_index("c")
        base = wid * rows_per_w
        pltpu.sync_copy(idx_hbm.at[pl.ds(base, rows_per_w)], idx_v)

        def issue_inputs(cc, b):
            pltpu.async_copy(
                emb_hbm.at[idx_v.at[pl.ds(cc * CH, CH)]],
                rows_v.at[b], gsem.at[b])
            pltpu.async_copy(
                x_hbm.at[pl.ds(base + cc * CH, CH)], x_v.at[b], xsem.at[b])

        def drain_out(cc, b):
            pltpu.make_async_copy(
                rows_v.at[b], out_hbm.at[pl.ds(base + cc * CH, CH)],
                osem.at[b]).wait()

        for b in range(DEPTH):
            issue_inputs(b, b)

        @pl.loop(0, nchunk, step=NBUF)
        def super_body(c):
            for b in range(NBUF):
                cc = c + b
                nc = cc + DEPTH
                bn = (b + DEPTH) % NBUF

                @pl.when(nc < nchunk)
                def _():
                    @pl.when(cc >= NBUF - DEPTH)
                    def _():
                        drain_out(cc - (NBUF - DEPTH), bn)
                    issue_inputs(nc, bn)

                pltpu.make_async_copy(
                    emb_hbm.at[idx_v.at[pl.ds(cc * CH, CH)]],
                    rows_v.at[b], gsem.at[b]).wait()
                pltpu.make_async_copy(
                    x_hbm.at[pl.ds(base + cc * CH, CH)], x_v.at[b],
                    xsem.at[b]).wait()

                @pl.loop(0, CH)
                def row_body(r):
                    @pl.loop(0, VPR, unroll=8)
                    def vec_body(j):
                        v = x_v[b, r, pl.ds(j * 16, 16)]
                        plsc.addupdate(rows_v.at[b, r, pl.ds(j * 16, 16)], v)

                pltpu.async_copy(
                    rows_v.at[b], out_hbm.at[pl.ds(base + cc * CH, CH)],
                    osem.at[b])

        for b in range(NBUF):
            cc = nchunk - NBUF + b
            drain_out(cc, b)

    return k(xf, idx, emb)


def kernel(x, pos, emb):
    xf = x.reshape(N, H)
    idx = pos.reshape(N).astype(jnp.int32)
    out = _sc_lookup_add(xf, idx, emb, N)
    return out.reshape(B, L, H)

# --- scband reference (transcript-rebuilt; emitter-appended) ---
"""Pipeline reference for scband-learned-vocab-24026047054521 (READ-ONLY COPY).

The authoritative reference and input builder live on the scoring server;
editing this copy changes nothing except your own understanding.
"""

import jax, jax.numpy as jnp
import numpy as np

B, L, H = 4, 8192, 1024
MAX_SEQ_LEN = 8192

def setup_inputs(seed: int = 0) -> dict:
    key = jax.random.key(seed)
    k1, k2, k3 = jax.random.split(key, 3)
    x = jax.random.normal(k1, (B, L, H), dtype=jnp.float32)
    pos = jax.random.randint(k2, (B, L), 0, MAX_SEQ_LEN, dtype=jnp.int64)
    # nn.Embedding default init: N(0, 1)
    emb = jax.random.normal(k3, (MAX_SEQ_LEN, H), dtype=jnp.float32)
    return {"x": x, "pos": pos, "emb": emb}

def reference(x, pos, emb):
    # pos_emb = self.emb(pos)  -> gather rows from embedding table
    pos_emb = jnp.take(emb, pos, axis=0)  # (B, L, H)
    # l == L here, so no padding branch taken; no mask provided
    return x + pos_emb

if __name__ == "__main__":
    import jax
    _d = setup_inputs()
    print(jax.jit(kernel)(*tuple(_d.values())))

</pallas_src>

<mosaic_0001>
#map = affine_map<(d0, d1) -> (0, 0)>
#map1 = affine_map<(d0, d1) -> (0)>
module attributes {stable_mosaic.version = 14 : i64} {
  func.func @k(%arg0: i32, %arg1: i32, %arg2: memref<32768x1024xf32, #tpu.memory_space<hbm>>, %arg3: memref<32768xi32, #tpu.memory_space<hbm>>, %arg4: memref<8192x1024xf32, #tpu.memory_space<hbm>>, %arg5: memref<32768x1024xf32, #tpu.memory_space<hbm>>, %arg6: memref<1024xi32, #tpu.memory_space<vmem>>, %arg7: memref<4x8x1024xf32, #tpu.memory_space<vmem>>, %arg8: memref<4x8x1024xf32, #tpu.memory_space<vmem>>, %arg9: memref<4x!tpu.dma_semaphore, #tpu.memory_space<semaphore_mem>>, %arg10: memref<4x!tpu.dma_semaphore, #tpu.memory_space<semaphore_mem>>, %arg11: memref<4x!tpu.dma_semaphore, #tpu.memory_space<semaphore_mem>>) attributes {dimension_semantics = [#tpu.dimension_semantics<core_parallel>, #tpu.dimension_semantics<subcore_parallel>], iteration_bounds = array<i64: 2, 16>, scalar_prefetch = 0 : i64, scratch_operands = 6 : i64, tpu.core_type = #tpu.core_type<sc_vector_subcore>, window_params = [{transform_indices = #map}, {transform_indices = #map1}, {transform_indices = #map}, {transform_indices = #map}]} {
    %mul3A = arith.constant 2 : i32
    %mul3A_0 = arith.muli %arg1, %mul3A : i32
    %add3A = arith.addi %mul3A_0, %arg0 : i32
    %mul3A_1 = arith.constant 1024 : i32
    %mul3A_2 = arith.muli %add3A, %mul3A_1 : i32
    "tpu.region"() ({
      %run_scoped3A = tpu.sem_alloc : memref<!tpu.dma_semaphore, #tpu.memory_space<semaphore_mem>>
      %dma_start3A_170 = tpu.memref_slice %arg3[%mul3A_2] : memref<32768xi32, #tpu.memory_space<hbm>> -> memref<1024xi32, #tpu.memory_space<hbm>>
      %dma_start3A_171 = tpu.memref_slice %arg3[%mul3A_2] : memref<32768xi32, #tpu.memory_space<hbm>> -> memref<1024xi32, #tpu.memory_space<hbm>>
      tpu.enqueue_dma source(%dma_start3A_171 : memref<1024xi32, #tpu.memory_space<hbm>>) target(%arg6 : memref<1024xi32, #tpu.memory_space<vmem>>) target_semaphore(%run_scoped3A : memref<!tpu.dma_semaphore, #tpu.memory_space<semaphore_mem>>)
      %dma_wait3A_172 = tpu.memref_slice %arg3[%mul3A_2] : memref<32768xi32, #tpu.memory_space<hbm>> -> memref<1024xi32, #tpu.memory_space<hbm>>
      %dma_wait3A_173 = tpu.memref_slice %arg3[%mul3A_2] : memref<32768xi32, #tpu.memory_space<hbm>> -> memref<1024xi32, #tpu.memory_space<hbm>>
      tpu.wait_dma2 semaphore(%run_scoped3A : memref<!tpu.dma_semaphore, #tpu.memory_space<semaphore_mem>>) src(%dma_wait3A_173 : memref<1024xi32, #tpu.memory_space<hbm>>) dst(%arg6 : memref<1024xi32, #tpu.memory_space<vmem>>)
      tpu.yield
    }) : () -> ()
    %dma_start3A = arith.constant 0 : i32
    %dma_start3A_3 = arith.constant 0 : i32
    %dma_start3A_4 = arith.constant 0 : i32
    %dma_start3A_5 = arith.constant 0 : i32
    %dma_start3A_6 = tpu.memref_slice %arg7[%dma_start3A, %dma_start3A_4, %dma_start3A_5] : memref<4x8x1024xf32, #tpu.memory_space<vmem>> -> memref<1x8x1024xf32, #tpu.memory_space<vmem>>
    %dma_start3A_7 = tpu.memref_squeeze %dma_start3A_6 : memref<1x8x1024xf32, #tpu.memory_space<vmem>> -> memref<8x1024xf32, #tpu.memory_space<vmem>>
    %dma_start3A_8 = arith.constant 0 : i32
    %dma_start3A_9 = tpu.memref_slice %arg6[%dma_start3A_8] : memref<1024xi32, #tpu.memory_space<vmem>> -> memref<8xi32, #tpu.memory_space<vmem>>
    %dma_start3A_10 = arith.constant 0 : i32
    %dma_start3A_11 = arith.constant 0 : i32
    %dma_start3A_12 = tpu.memref_slice %arg4[%dma_start3A_10, %dma_start3A_11] : memref<8192x1024xf32, #tpu.memory_space<hbm>> -> memref<8192x1024xf32, #tpu.memory_space<hbm>>
    %dma_start3A_13 = tpu.memref_slice %arg9[%dma_start3A_3] : memref<4x!tpu.dma_semaphore, #tpu.memory_space<semaphore_mem>> -> memref<1x!tpu.dma_semaphore, #tpu.memory_space<semaphore_mem>>
    %dma_start3A_14 = tpu.memref_squeeze %dma_start3A_13 : memref<1x!tpu.dma_semaphore, #tpu.memory_space<semaphore_mem>> -> memref<!tpu.dma_semaphore, #tpu.memory_space<semaphore_mem>>
    tpu.enqueue_indirect_dma source(%dma_start3A_12 : memref<8192x1024xf32, #tpu.memory_space<hbm>>) target(%dma_start3A_7 : memref<8x1024xf32, #tpu.memory_space<vmem>>) offsets(%dma_start3A_9 : memref<8xi32, #tpu.memory_space<vmem>>) semaphore(%dma_start3A_14 : memref<!tpu.dma_semaphore, #tpu.memory_space<semaphore_mem>>)
    %add3A_15 = arith.constant 0 : i32
    %add3A_16 = arith.addi %mul3A_2, %add3A_15 : i32
    %dma_start3A_17 = arith.constant 0 : i32
    %dma_start3A_18 = arith.constant 0 : i32
    %dma_start3A_19 = arith.constant 0 : i32
    %dma_start3A_20 = arith.constant 0 : i32
    %dma_start3A_21 = tpu.memref_slice %arg8[%dma_start3A_17, %dma_start3A_19, %dma_start3A_20] : memref<4x8x1024xf32, #tpu.memory_space<vmem>> -> memref<1x8x1024xf32, #tpu.memory_space<vmem>>
    %dma_start3A_22 = tpu.memref_squeeze %dma_start3A_21 : memref<1x8x1024xf32, #tpu.memory_space<vmem>> -> memref<8x1024xf32, #tpu.memory_space<vmem>>
    %dma_start3A_23 = arith.constant 0 : i32
    %dma_start3A_24 = tpu.memref_slice %arg2[%add3A_16, %dma_start3A_23] : memref<32768x1024xf32, #tpu.memory_space<hbm>> -> memref<8x1024xf32, #tpu.memory_space<hbm>>
    %dma_start3A_25 = tpu.memref_slice %arg10[%dma_start3A_18] : memref<4x!tpu.dma_semaphore, #tpu.memory_space<semaphore_mem>> -> memref<1x!tpu.dma_semaphore, #tpu.memory_space<semaphore_mem>>
    %dma_start3A_26 = tpu.memref_squeeze %dma_start3A_25 : memref<1x!tpu.dma_semaphore, #tpu.memory_space<semaphore_mem>> -> memref<!tpu.dma_semaphore, #tpu.memory_space<semaphore_mem>>
    %dma_start3A_27 = arith.constant 0 : i32
    %dma_start3A_28 = arith.constant 0 : i32
    %dma_start3A_29 = tpu.memref_slice %arg8[%dma_start3A_17, %dma_start3A_27, %dma_start3A_28] : memref<4x8x1024xf32, #tpu.memory_space<vmem>> -> memref<1x8x1024xf32, #tpu.memory_space<vmem>>
    %dma_start3A_30 = tpu.memref_squeeze %dma_start3A_29 : memref<1x8x1024xf32, #tpu.memory_space<vmem>> -> memref<8x1024xf32, #tpu.memory_space<vmem>>
    %dma_start3A_31 = arith.constant 0 : i32
    %dma_start3A_32 = tpu.memref_slice %arg2[%add3A_16, %dma_start3A_31] : memref<32768x1024xf32, #tpu.memory_space<hbm>> -> memref<8x1024xf32, #tpu.memory_space<hbm>>
    tpu.enqueue_dma source(%dma_start3A_32 : memref<8x1024xf32, #tpu.memory_space<hbm>>) target(%dma_start3A_30 : memref<8x1024xf32, #tpu.memory_space<vmem>>) target_semaphore(%dma_start3A_26 : memref<!tpu.dma_semaphore, #tpu.memory_space<semaphore_mem>>)
    %dma_start3A_33 = arith.constant 1 : i32
    %dma_start3A_34 = arith.constant 1 : i32
    %dma_start3A_35 = arith.constant 0 : i32
    %dma_start3A_36 = arith.constant 0 : i32
    %dma_start3A_37 = tpu.memref_slice %arg7[%dma_start3A_33, %dma_start3A_35, %dma_start3A_36] : memref<4x8x1024xf32, #tpu.memory_space<vmem>> -> memref<1x8x1024xf32, #tpu.memory_space<vmem>>
    %dma_start3A_38 = tpu.memref_squeeze %dma_start3A_37 : memref<1x8x1024xf32, #tpu.memory_space<vmem>> -> memref<8x1024xf32, #tpu.memory_space<vmem>>
    %dma_start3A_39 = arith.constant 8 : i32
    %dma_start3A_40 = tpu.memref_slice %arg6[%dma_start3A_39] : memref<1024xi32, #tpu.memory_space<vmem>> -> memref<8xi32, #tpu.memory_space<vmem>>
    %dma_start3A_41 = arith.constant 0 : i32
    %dma_start3A_42 = arith.constant 0 : i32
    %dma_start3A_43 = tpu.memref_slice %arg4[%dma_start3A_41, %dma_start3A_42] : memref<8192x1024xf32, #tpu.memory_space<hbm>> -> memref<8192x1024xf32, #tpu.memory_space<hbm>>
    %dma_start3A_44 = tpu.memref_slice %arg9[%dma_start3A_34] : memref<4x!tpu.dma_semaphore, #tpu.memory_space<semaphore_mem>> -> memref<1x!tpu.dma_semaphore, #tpu.memory_space<semaphore_mem>>
    %dma_start3A_45 = tpu.memref_squeeze %dma_start3A_44 : memref<1x!tpu.dma_semaphore, #tpu.memory_space<semaphore_mem>> -> memref<!tpu.dma_semaphore, #tpu.memory_space<semaphore_mem>>
    tpu.enqueue_indirect_dma source(%dma_start3A_43 : memref<8192x1024xf32, #tpu.memory_space<hbm>>) target(%dma_start3A_38 : memref<8x1024xf32, #tpu.memory_space<vmem>>) offsets(%dma_start3A_40 : memref<8xi32, #tpu.memory_space<vmem>>) semaphore(%dma_start3A_45 : memref<!tpu.dma_semaphore, #tpu.memory_space<semaphore_mem>>)
    %add3A_46 = arith.constant 8 : i32
    %add3A_47 = arith.addi %mul3A_2, %add3A_46 : i32
    %dma_start3A_48 = arith.constant 1 : i32
    %dma_start3A_49 = arith.constant 1 : i32
    %dma_start3A_50 = arith.constant 0 : i32
    %dma_start3A_51 = arith.constant 0 : i32
    %dma_start3A_52 = tpu.memref_slice %arg8[%dma_start3A_48, %dma_start3A_50, %dma_start3A_51] : memref<4x8x1024xf32, #tpu.memory_space<vmem>> -> memref<1x8x1024xf32, #tpu.memory_space<vmem>>
    %dma_start3A_53 = tpu.memref_squeeze %dma_start3A_52 : memref<1x8x1024xf32, #tpu.memory_space<vmem>> -> memref<8x1024xf32, #tpu.memory_space<vmem>>
    %dma_start3A_54 = arith.constant 0 : i32
    %dma_start3A_55 = tpu.memref_slice %arg2[%add3A_47, %dma_start3A_54] : memref<32768x1024xf32, #tpu.memory_space<hbm>> -> memref<8x1024xf32, #tpu.memory_space<hbm>>
    %dma_start3A_56 = tpu.memref_slice %arg10[%dma_start3A_49] : memref<4x!tpu.dma_semaphore, #tpu.memory_space<semaphore_mem>> -> memref<1x!tpu.dma_semaphore, #tpu.memory_space<semaphore_mem>>
    %dma_start3A_57 = tpu.memref_squeeze %dma_start3A_56 : memref<1x!tpu.dma_semaphore, #tpu.memory_space<semaphore_mem>> -> memref<!tpu.dma_semaphore, #tpu.memory_space<semaphore_mem>>
    %dma_start3A_58 = arith.constant 0 : i32
    %dma_start3A_59 = arith.constant 0 : i32
    %dma_start3A_60 = tpu.memref_slice %arg8[%dma_start3A_48, %dma_start3A_58, %dma_start3A_59] : memref<4x8x1024xf32, #tpu.memory_space<vmem>> -> memref<1x8x1024xf32, #tpu.memory_space<vmem>>
    %dma_start3A_61 = tpu.memref_squeeze %dma_start3A_60 : memref<1x8x1024xf32, #tpu.memory_space<vmem>> -> memref<8x1024xf32, #tpu.memory_space<vmem>>
    %dma_start3A_62 = arith.constant 0 : i32
    %dma_start3A_63 = tpu.memref_slice %arg2[%add3A_47, %dma_start3A_62] : memref<32768x1024xf32, #tpu.memory_space<hbm>> -> memref<8x1024xf32, #tpu.memory_space<hbm>>
    tpu.enqueue_dma source(%dma_start3A_63 : memref<8x1024xf32, #tpu.memory_space<hbm>>) target(%dma_start3A_61 : memref<8x1024xf32, #tpu.memory_space<vmem>>) target_semaphore(%dma_start3A_57 : memref<!tpu.dma_semaphore, #tpu.memory_space<semaphore_mem>>)
    %dma_start3A_64 = arith.constant 2 : i32
    %dma_start3A_65 = arith.constant 2 : i32
    %dma_start3A_66 = arith.constant 0 : i32
    %dma_start3A_67 = arith.constant 0 : i32
    %dma_start3A_68 = tpu.memref_slice %arg7[%dma_start3A_64, %dma_start3A_66, %dma_start3A_67] : memref<4x8x1024xf32, #tpu.memory_space<vmem>> -> memref<1x8x1024xf32, #tpu.memory_space<vmem>>
    %dma_start3A_69 = tpu.memref_squeeze %dma_start3A_68 : memref<1x8x1024xf32, #tpu.memory_space<vmem>> -> memref<8x1024xf32, #tpu.memory_space<vmem>>
    %dma_start3A_70 = arith.constant 16 : i32
    %dma_start3A_71 = tpu.memref_slice %arg6[%dma_start3A_70] : memref<1024xi32, #tpu.memory_space<vmem>> -> memref<8xi32, #tpu.memory_space<vmem>>
    %dma_start3A_72 = arith.constant 0 : i32
    %dma_start3A_73 = arith.constant 0 : i32
    %dma_start3A_74 = tpu.memref_slice %arg4[%dma_start3A_72, %dma_start3A_73] : memref<8192x1024xf32, #tpu.memory_space<hbm>> -> memref<8192x1024xf32, #tpu.memory_space<hbm>>
    %dma_start3A_75 = tpu.memref_slice %arg9[%dma_start3A_65] : memref<4x!tpu.dma_semaphore, #tpu.memory_space<semaphore_mem>> -> memref<1x!tpu.dma_semaphore, #tpu.memory_space<semaphore_mem>>
    %dma_start3A_76 = tpu.memref_squeeze %dma_start3A_75 : memref<1x!tpu.dma_semaphore, #tpu.memory_space<semaphore_mem>> -> memref<!tpu.dma_semaphore, #tpu.memory_space<semaphore_mem>>
    tpu.enqueue_indirect_dma source(%dma_start3A_74 : memref<8192x1024xf32, #tpu.memory_space<hbm>>) target(%dma_start3A_69 : memref<8x1024xf32, #tpu.memory_space<vmem>>) offsets(%dma_start3A_71 : memref<8xi32, #tpu.memory_space<vmem>>) semaphore(%dma_start3A_76 : memref<!tpu.dma_semaphore, #tpu.memory_space<semaphore_mem>>)
    %add3A_77 = arith.constant 16 : i32
    %add3A_78 = arith.addi %mul3A_2, %add3A_77 : i32
    %dma_start3A_79 = arith.constant 2 : i32
    %dma_start3A_80 = arith.constant 2 : i32
    %dma_start3A_81 = arith.constant 0 : i32
    %dma_start3A_82 = arith.constant 0 : i32
    %dma_start3A_83 = tpu.memref_slice %arg8[%dma_start3A_79, %dma_start3A_81, %dma_start3A_82] : memref<4x8x1024xf32, #tpu.memory_space<vmem>> -> memref<1x8x1024xf32, #tpu.memory_space<vmem>>
    %dma_start3A_84 = tpu.memref_squeeze %dma_start3A_83 : memref<1x8x1024xf32, #tpu.memory_space<vmem>> -> memref<8x1024xf32, #tpu.memory_space<vmem>>
    %dma_start3A_85 = arith.constant 0 : i32
    %dma_start3A_86 = tpu.memref_slice %arg2[%add3A_78, %dma_start3A_85] : memref<32768x1024xf32, #tpu.memory_space<hbm>> -> memref<8x1024xf32, #tpu.memory_space<hbm>>
    %dma_start3A_87 = tpu.memref_slice %arg10[%dma_start3A_80] : memref<4x!tpu.dma_semaphore, #tpu.memory_space<semaphore_mem>> -> memref<1x!tpu.dma_semaphore, #tpu.memory_space<semaphore_mem>>
    %dma_start3A_88 = tpu.memref_squeeze %dma_start3A_87 : memref<1x!tpu.dma_semaphore, #tpu.memory_space<semaphore_mem>> -> memref<!tpu.dma_semaphore, #tpu.memory_space<semaphore_mem>>
    %dma_start3A_89 = arith.constant 0 : i32
    %dma_start3A_90 = arith.constant 0 : i32
    %dma_start3A_91 = tpu.memref_slice %arg8[%dma_start3A_79, %dma_start3A_89, %dma_start3A_90] : memref<4x8x1024xf32, #tpu.memory_space<vmem>> -> memref<1x8x1024xf32, #tpu.memory_space<vmem>>
    %dma_start3A_92 = tpu.memref_squeeze %dma_start3A_91 : memref<1x8x1024xf32, #tpu.memory_space<vmem>> -> memref<8x1024xf32, #tpu.memory_space<vmem>>
    %dma_start3A_93 = arith.constant 0 : i32
    %dma_start3A_94 = tpu.memref_slice %arg2[%add3A_78, %dma_start3A_93] : memref<32768x1024xf32, #tpu.memory_space<hbm>> -> memref<8x1024xf32, #tpu.memory_space<hbm>>
    tpu.enqueue_dma source(%dma_start3A_94 : memref<8x1024xf32, #tpu.memory_space<hbm>>) target(%dma_start3A_92 : memref<8x1024xf32, #tpu.memory_space<vmem>>) target_semaphore(%dma_start3A_88 : memref<!tpu.dma_semaphore, #tpu.memory_space<semaphore_mem>>)
    %scan3A = arith.constant 0 : i32
    %scan3A_95 = arith.constant 32 : i32
    %scan3A_96 = arith.addi %scan3A, %scan3A_95 : i32
    %scan3A_97 = arith.constant 1 : i32
    scf.for %scan3A_170 = %scan3A to %scan3A_96 step %scan3A_97  : i32 {
      %mul3A_171 = arith.constant 4 : i32
      %mul3A_172 = arith.muli %scan3A_170, %mul3A_171 : i32
      %add3A_173 = arith.constant 0 : i32
      %add3A_174 = arith.addi %add3A_173, %mul3A_172 : i32
      %add3A_175 = arith.constant 0 : i32
      %add3A_176 = arith.addi %add3A_174, %add3A_175 : i32
      %add3A_177 = arith.constant 3 : i32
      %add3A_178 = arith.addi %add3A_176, %add3A_177 : i32
      %lt3A = arith.constant 128 : i32
      %lt3A_179 = arith.cmpi slt, %add3A_178, %lt3A : i32
      %convert_element_type3A = arith.extui %lt3A_179 : i1 to i32
      %cond3A = arith.constant 0 : i32
      %cond3A_180 = arith.cmpi ne, %convert_element_type3A, %cond3A : i32
      scf.if %cond3A_180 {
        %ge3A = arith.constant 1 : i32
        %ge3A_436 = arith.cmpi sge, %add3A_176, %ge3A : i32
        %convert_element_type3A_437 = arith.extui %ge3A_436 : i1 to i32
        %cond3A_438 = arith.constant 0 : i32
        %cond3A_439 = arith.cmpi ne, %convert_element_type3A_437, %cond3A_438 : i32
        scf.if %cond3A_439 {
          %sub3A = arith.constant 1 : i32
          %sub3A_473 = arith.subi %add3A_176, %sub3A : i32
          %mul3A_474 = arith.constant 8 : i32
          %mul3A_475 = arith.muli %sub3A_473, %mul3A_474 : i32
          %add3A_476 = arith.addi %mul3A_2, %mul3A_475 : i32
          %dma_wait3A_477 = arith.constant 3 : i32
          %dma_wait3A_478 = arith.constant 3 : i32
          %dma_wait3A_479 = arith.constant 0 : i32
          %dma_wait3A_480 = arith.constant 0 : i32
          %dma_wait3A_481 = tpu.memref_slice %arg7[%dma_wait3A_477, %dma_wait3A_479, %dma_wait3A_480] : memref<4x8x1024xf32, #tpu.memory_space<vmem>> -> memref<1x8x1024xf32, #tpu.memory_space<vmem>>
          %dma_wait3A_482 = tpu.memref_squeeze %dma_wait3A_481 : memref<1x8x1024xf32, #tpu.memory_space<vmem>> -> memref<8x1024xf32, #tpu.memory_space<vmem>>
          %dma_wait3A_483 = arith.constant 0 : i32
          %dma_wait3A_484 = tpu.memref_slice %arg5[%add3A_476, %dma_wait3A_483] : memref<32768x1024xf32, #tpu.memory_space<hbm>> -> memref<8x1024xf32, #tpu.memory_space<hbm>>
          %dma_wait3A_485 = tpu.memref_slice %arg11[%dma_wait3A_478] : memref<4x!tpu.dma_semaphore, #tpu.memory_space<semaphore_mem>> -> memref<1x!tpu.dma_semaphore, #tpu.memory_space<semaphore_mem>>
          %dma_wait3A_486 = tpu.memref_squeeze %dma_wait3A_485 : memref<1x!tpu.dma_semaphore, #tpu.memory_space<semaphore_mem>> -> memref<!tpu.dma_semaphore, #tpu.memory_space<semaphore_mem>>
          %dma_wait3A_487 = arith.constant 0 : i32
          %dma_wait3A_488 = tpu.memref_slice %arg5[%add3A_476, %dma_wait3A_487] : memref<32768x1024xf32, #tpu.memory_space<hbm>> -> memref<8x1024xf32, #tpu.memory_space<hbm>>
          %dma_wait3A_489 = arith.constant 0 : i32
          %dma_wait3A_490 = arith.constant 0 : i32
          %dma_wait3A_491 = tpu.memref_slice %arg7[%dma_wait3A_477, %dma_wait3A_489, %dma_wait3A_490] : memref<4x8x1024xf32, #tpu.memory_space<vmem>> -> memref<1x8x1024xf32, #tpu.memory_space<vmem>>
          %dma_wait3A_492 = tpu.memref_squeeze %dma_wait3A_491 : memref<1x8x1024xf32, #tpu.memory_space<vmem>> -> memref<8x1024xf32, #tpu.memory_space<vmem>>
          tpu.wait_dma2 semaphore(%dma_wait3A_486 : memref<!tpu.dma_semaphore, #tpu.memory_space<semaphore_mem>>) src(%dma_wait3A_492 : memref<8x1024xf32, #tpu.memory_space<vmem>>) dst(%dma_wait3A_488 : memref<8x1024xf32, #tpu.memory_space<hbm>>)
        } else {
        }
        %mul3A_440 = arith.constant 8 : i32
        %mul3A_441 = arith.muli %add3A_178, %mul3A_440 : i32
        %dma_start3A_442 = arith.constant 3 : i32
        %dma_start3A_443 = arith.constant 3 : i32
        %dma_start3A_444 = arith.constant 0 : i32
        %dma_start3A_445 = arith.constant 0 : i32
        %dma_start3A_446 = tpu.memref_slice %arg7[%dma_start3A_442, %dma_start3A_444, %dma_start3A_445] : memref<4x8x1024xf32, #tpu.memory_space<vmem>> -> memref<1x8x1024xf32, #tpu.memory_space<vmem>>
        %dma_start3A_447 = tpu.memref_squeeze %dma_start3A_446 : memref<1x8x1024xf32, #tpu.memory_space<vmem>> -> memref<8x1024xf32, #tpu.memory_space<vmem>>
        %dma_start3A_448 = tpu.memref_slice %arg6[%mul3A_441] : memref<1024xi32, #tpu.memory_space<vmem>> -> memref<8xi32, #tpu.memory_space<vmem>>
        %dma_start3A_449 = arith.constant 0 : i32
        %dma_start3A_450 = arith.constant 0 : i32
        %dma_start3A_451 = tpu.memref_slice %arg4[%dma_start3A_449, %dma_start3A_450] : memref<8192x1024xf32, #tpu.memory_space<hbm>> -> memref<8192x1024xf32, #tpu.memory_space<hbm>>
        %dma_start3A_452 = tpu.memref_slice %arg9[%dma_start3A_443] : memref<4x!tpu.dma_semaphore, #tpu.memory_space<semaphore_mem>> -> memref<1x!tpu.dma_semaphore, #tpu.memory_space<semaphore_mem>>
        %dma_start3A_453 = tpu.memref_squeeze %dma_start3A_452 : memref<1x!tpu.dma_semaphore, #tpu.memory_space<semaphore_mem>> -> memref<!tpu.dma_semaphore, #tpu.memory_space<semaphore_mem>>
        tpu.enqueue_indirect_dma source(%dma_start3A_451 : memref<8192x1024xf32, #tpu.memory_space<hbm>>) target(%dma_start3A_447 : memref<8x1024xf32, #tpu.memory_space<vmem>>) offsets(%dma_start3A_448 : memref<8xi32, #tpu.memory_space<vmem>>) semaphore(%dma_start3A_453 : memref<!tpu.dma_semaphore, #tpu.memory_space<semaphore_mem>>)
        %mul3A_454 = arith.constant 8 : i32
        %mul3A_455 = arith.muli %add3A_178, %mul3A_454 : i32
        %add3A_456 = arith.addi %mul3A_2, %mul3A_455 : i32
        %dma_start3A_457 = arith.constant 3 : i32
        %dma_start3A_458 = arith.constant 3 : i32
        %dma_start3A_459 = arith.constant 0 : i32
        %dma_start3A_460 = arith.constant 0 : i32
        %dma_start3A_461 = tpu.memref_slice %arg8[%dma_start3A_457, %dma_start3A_459, %dma_start3A_460] : memref<4x8x1024xf32, #tpu.memory_space<vmem>> -> memref<1x8x1024xf32, #tpu.memory_space<vmem>>
        %dma_start3A_462 = tpu.memref_squeeze %dma_start3A_461 : memref<1x8x1024xf32, #tpu.memory_space<vmem>> -> memref<8x1024xf32, #tpu.memory_space<vmem>>
        %dma_start3A_463 = arith.constant 0 : i32
        %dma_start3A_464 = tpu.memref_slice %arg2[%add3A_456, %dma_start3A_463] : memref<32768x1024xf32, #tpu.memory_space<hbm>> -> memref<8x1024xf32, #tpu.memory_space<hbm>>
        %dma_start3A_465 = tpu.memref_slice %arg10[%dma_start3A_458] : memref<4x!tpu.dma_semaphore, #tpu.memory_space<semaphore_mem>> -> memref<1x!tpu.dma_semaphore, #tpu.memory_space<semaphore_mem>>
        %dma_start3A_466 = tpu.memref_squeeze %dma_start3A_465 : memref<1x!tpu.dma_semaphore, #tpu.memory_space<semaphore_mem>> -> memref<!tpu.dma_semaphore, #tpu.memory_space<semaphore_mem>>
        %dma_start3A_467 = arith.constant 0 : i32
        %dma_start3A_468 = arith.constant 0 : i32
        %dma_start3A_469 = tpu.memref_slice %arg8[%dma_start3A_457, %dma_start3A_467, %dma_start3A_468] : memref<4x8x1024xf32, #tpu.memory_space<vmem>> -> memref<1x8x1024xf32, #tpu.memory_space<vmem>>
        %dma_start3A_470 = tpu.memref_squeeze %dma_start3A_469 : memref<1x8x1024xf32, #tpu.memory_space<vmem>> -> memref<8x1024xf32, #tpu.memory_space<vmem>>
        %dma_start3A_471 = arith.constant 0 : i32
        %dma_start3A_472 = tpu.memref_slice %arg2[%add3A_456, %dma_start3A_471] : memref<32768x1024xf32, #tpu.memory_space<hbm>> -> memref<8x1024xf32, #tpu.memory_space<hbm>>
        tpu.enqueue_dma source(%dma_start3A_472 : memref<8x1024xf32, #tpu.memory_space<hbm>>) target(%dma_start3A_470 : memref<8x1024xf32, #tpu.memory_space<vmem>>) target_semaphore(%dma_start3A_466 : memref<!tpu.dma_semaphore, #tpu.memory_space<semaphore_mem>>)
      } else {
      }
      %mul3A_181 = arith.constant 8 : i32
      %mul3A_182 = arith.muli %add3A_176, %mul3A_181 : i32
      %dma_wait3A_183 = arith.constant 0 : i32
      %dma_wait3A_184 = arith.constant 0 : i32
      %dma_wait3A_185 = arith.constant 0 : i32
      %dma_wait3A_186 = arith.constant 0 : i32
      %dma_wait3A_187 = tpu.memref_slice %arg7[%dma_wait3A_183, %dma_wait3A_185, %dma_wait3A_186] : memref<4x8x1024xf32, #tpu.memory_space<vmem>> -> memref<1x8x1024xf32, #tpu.memory_space<vmem>>
      %dma_wait3A_188 = tpu.memref_squeeze %dma_wait3A_187 : memref<1x8x1024xf32, #tpu.memory_space<vmem>> -> memref<8x1024xf32, #tpu.memory_space<vmem>>
      %dma_wait3A_189 = tpu.memref_slice %arg6[%mul3A_182] : memref<1024xi32, #tpu.memory_space<vmem>> -> memref<8xi32, #tpu.memory_space<vmem>>
      %dma_wait3A_190 = arith.constant 0 : i32
      %dma_wait3A_191 = arith.constant 0 : i32
      %dma_wait3A_192 = tpu.memref_slice %arg4[%dma_wait3A_190, %dma_wait3A_191] : memref<8192x1024xf32, #tpu.memory_space<hbm>> -> memref<8192x1024xf32, #tpu.memory_space<hbm>>
      %dma_wait3A_193 = tpu.memref_slice %arg9[%dma_wait3A_184] : memref<4x!tpu.dma_semaphore, #tpu.memory_space<semaphore_mem>> -> memref<1x!tpu.dma_semaphore, #tpu.memory_space<semaphore_mem>>
      %dma_wait3A_194 = tpu.memref_squeeze %dma_wait3A_193 : memref<1x!tpu.dma_semaphore, #tpu.memory_space<semaphore_mem>> -> memref<!tpu.dma_semaphore, #tpu.memory_space<semaphore_mem>>
      tpu.wait_indirect_dma semaphore(%dma_wait3A_194 : memref<!tpu.dma_semaphore, #tpu.memory_space<semaphore_mem>>) src(%dma_wait3A_192 : memref<8192x1024xf32, #tpu.memory_space<hbm>>) dst(%dma_wait3A_188 : memref<8x1024xf32, #tpu.memory_space<vmem>>)
      %mul3A_195 = arith.constant 8 : i32
      %mul3A_196 = arith.muli %add3A_176, %mul3A_195 : i32
      %add3A_197 = arith.addi %mul3A_2, %mul3A_196 : i32
      %dma_wait3A_198 = arith.constant 0 : i32
      %dma_wait3A_199 = arith.constant 0 : i32
      %dma_wait3A_200 = arith.constant 0 : i32
      %dma_wait3A_201 = arith.constant 0 : i32
      %dma_wait3A_202 = tpu.memref_slice %arg8[%dma_wait3A_198, %dma_wait3A_200, %dma_wait3A_201] : memref<4x8x1024xf32, #tpu.memory_space<vmem>> -> memref<1x8x1024xf32, #tpu.memory_space<vmem>>
      %dma_wait3A_203 = tpu.memref_squeeze %dma_wait3A_202 : memref<1x8x1024xf32, #tpu.memory_space<vmem>> -> memref<8x1024xf32, #tpu.memory_space<vmem>>
      %dma_wait3A_204 = arith.constant 0 : i32
      %dma_wait3A_205 = tpu.memref_slice %arg2[%add3A_197, %dma_wait3A_204] : memref<32768x1024xf32, #tpu.memory_space<hbm>> -> memref<8x1024xf32, #tpu.memory_space<hbm>>
      %dma_wait3A_206 = tpu.memref_slice %arg10[%dma_wait3A_199] : memref<4x!tpu.dma_semaphore, #tpu.memory_space<semaphore_mem>> -> memref<1x!tpu.dma_semaphore, #tpu.memory_space<semaphore_mem>>
      %dma_wait3A_207 = tpu.memref_squeeze %dma_wait3A_206 : memref<1x!tpu.dma_semaphore, #tpu.memory_space<semaphore_mem>> -> memref<!tpu.dma_semaphore, #tpu.memory_space<semaphore_mem>>
      %dma_wait3A_208 = arith.constant 0 : i32
      %dma_wait3A_209 = arith.constant 0 : i32
      %dma_wait3A_210 = tpu.memref_slice %arg8[%dma_wait3A_198, %dma_wait3A_208, %dma_wait3A_209] : memref<4x8x1024xf32, #tpu.memory_space<vmem>> -> memref<1x8x1024xf32, #tpu.memory_space<vmem>>
      %dma_wait3A_211 = tpu.memref_squeeze %dma_wait3A_210 : memref<1x8x1024xf32, #tpu.memory_space<vmem>> -> memref<8x1024xf32, #tpu.memory_space<vmem>>
      %dma_wait3A_212 = arith.constant 0 : i32
      %dma_wait3A_213 = tpu.memref_slice %arg2[%add3A_197, %dma_wait3A_212] : memref<32768x1024xf32, #tpu.memory_space<hbm>> -> memref<8x1024xf32, #tpu.memory_space<hbm>>
      tpu.wait_dma2 semaphore(%dma_wait3A_207 : memref<!tpu.dma_semaphore, #tpu.memory_space<semaphore_mem>>) src(%dma_wait3A_213 : memref<8x1024xf32, #tpu.memory_space<hbm>>) dst(%dma_wait3A_211 : memref<8x1024xf32, #tpu.memory_space<vmem>>)
      %scan3A_214 = arith.constant 0 : i32
      %scan3A_215 = arith.constant 8 : i32
      %scan3A_216 = arith.addi %scan3A_214, %scan3A_215 : i32
      %scan3A_217 = arith.constant 1 : i32
      scf.for %scan3A_436 = %scan3A_214 to %scan3A_216 step %scan3A_217  : i32 {
        %mul3A_437 = arith.constant 1 : i32
        %mul3A_438 = arith.muli %scan3A_436, %mul3A_437 : i32
        %add3A_439 = arith.constant 0 : i32
        %add3A_440 = arith.addi %add3A_439, %mul3A_438 : i32
        %scan3A_441 = arith.constant 0 : i32
        %scan3A_442 = arith.constant 64 : i32
        %scan3A_443 = arith.addi %scan3A_441, %scan3A_442 : i32
        %scan3A_444 = arith.constant 8 : i32
        scf.for %scan3A_446 = %scan3A_441 to %scan3A_443 step %scan3A_444  : i32 {
          %mul3A_447 = arith.constant 1 : i32
          %mul3A_448 = arith.muli %scan3A_446, %mul3A_447 : i32
          %add3A_449 = arith.constant 0 : i32
          %add3A_450 = arith.addi %add3A_449, %mul3A_448 : i32
          %mul3A_451 = arith.constant 16 : i32
          %mul3A_452 = arith.muli %add3A_450, %mul3A_451 : i32
          %get3A = arith.constant 0 : i32
          %get3A_453 = arith.index_cast %get3A : i32 to index
          %get3A_454 = arith.index_cast %add3A_440 : i32 to index
          %get3A_455 = arith.index_cast %mul3A_452 : i32 to index
          %get3A_456 = tpu.vector_load %arg8[%get3A_453, %get3A_454, %get3A_455] {strides = array<i32>} : memref<4x8x1024xf32, #tpu.memory_space<vmem>>, vector<1x1x16xf32>,
          %get3A_457 = vector.shape_cast %get3A_456 : vector<1x1x16xf32> to vector<16xf32>
          %mul3A_458 = arith.constant 16 : i32
          %mul3A_459 = arith.muli %add3A_450, %mul3A_458 : i32
          %swap3A = arith.constant 0 : i32
          %swap3A_460 = arith.index_cast %swap3A : i32 to index
          %swap3A_461 = arith.index_cast %add3A_440 : i32 to index
          %swap3A_462 = arith.index_cast %mul3A_459 : i32 to index
          %swap3A_463 = tpu.vector_load %arg7[%swap3A_460, %swap3A_461, %swap3A_462] {strides = array<i32>} : memref<4x8x1024xf32, #tpu.memory_space<vmem>>, vector<1x1x16xf32>,
          %swap3A_464 = vector.shape_cast %swap3A_463 : vector<1x1x16xf32> to vector<16xf32>
          %swap3A_465 = vector.shape_cast %get3A_457 : vector<16xf32> to vector<1x1x16xf32>
          tpu.vector_store %arg7[%swap3A_460, %swap3A_461, %swap3A_462], %swap3A_465 {add = true, strides = array<i32>} : memref<4x8x1024xf32, #tpu.memory_space<vmem>>, vector<1x1x16xf32>,
          %scan3A_466 = arith.constant 1 : i32
          %scan3A_467 = arith.addi %scan3A_446, %scan3A_466 : i32
          %mul3A_468 = arith.constant 1 : i32
          %mul3A_469 = arith.muli %scan3A_467, %mul3A_468 : i32
          %add3A_470 = arith.constant 0 : i32
          %add3A_471 = arith.addi %add3A_470, %mul3A_469 : i32
          %mul3A_472 = arith.constant 16 : i32
          %mul3A_473 = arith.muli %add3A_471, %mul3A_472 : i32
          %get3A_474 = arith.constant 0 : i32
          %get3A_475 = arith.index_cast %get3A_474 : i32 to index
          %get3A_476 = arith.index_cast %add3A_440 : i32 to index
          %get3A_477 = arith.index_cast %mul3A_473 : i32 to index
          %get3A_478 = tpu.vector_load %arg8[%get3A_475, %get3A_476, %get3A_477] {strides = array<i32>} : memref<4x8x1024xf32, #tpu.memory_space<vmem>>, vector<1x1x16xf32>,
          %get3A_479 = vector.shape_cast %get3A_478 : vector<1x1x16xf32> to vector<16xf32>
          %mul3A_480 = arith.constant 16 : i32
          %mul3A_481 = arith.muli %add3A_471, %mul3A_480 : i32
          %swap3A_482 = arith.constant 0 : i32
          %swap3A_483 = arith.index_cast %swap3A_482 : i32 to index
          %swap3A_484 = arith.index_cast %add3A_440 : i32 to index
          %swap3A_485 = arith.index_cast %mul3A_481 : i32 to index
          %swap3A_486 = tpu.vector_load %arg7[%swap3A_483, %swap3A_484, %swap3A_485] {strides = array<i32>} : memref<4x8x1024xf32, #tpu.memory_space<vmem>>, vector<1x1x16xf32>,
          %swap3A_487 = vector.shape_cast %swap3A_486 : vector<1x1x16xf32> to vector<16xf32>
          %swap3A_488 = vector.shape_cast %get3A_479 : vector<16xf32> to vector<1x1x16xf32>
          tpu.vector_store %arg7[%swap3A_483, %swap3A_484, %swap3A_485], %swap3A_488 {add = true, strides = array<i32>} : memref<4x8x1024xf32, #tpu.memory_space<vmem>>, vector<1x1x16xf32>,
          %scan3A_489 = arith.constant 2 : i32
          %scan3A_490 = arith.addi %scan3A_446, %scan3A_489 : i32
          %mul3A_491 = arith.constant 1 : i32
          %mul3A_492 = arith.muli %scan3A_490, %mul3A_491 : i32
          %add3A_493 = arith.constant 0 : i32
          %add3A_494 = arith.addi %add3A_493, %mul3A_492 : i32
          %mul3A_495 = arith.constant 16 : i32
          %mul3A_496 = arith.muli %add3A_494, %mul3A_495 : i32
          %get3A_497 = arith.constant 0 : i32
          %get3A_498 = arith.index_cast %get3A_497 : i32 to index
          %get3A_499 = arith.index_cast %add3A_440 : i32 to index
          %get3A_500 = arith.index_cast %mul3A_496 : i32 to index
          %get3A_501 = tpu.vector_load %arg8[%get3A_498, %get3A_499, %get3A_500] {strides = array<i32>} : memref<4x8x1024xf32, #tpu.memory_space<vmem>>, vector<1x1x16xf32>,
          %get3A_502 = vector.shape_cast %get3A_501 : vector<1x1x16xf32> to vector<16xf32>
          %mul3A_503 = arith.constant 16 : i32
          %mul3A_504 = arith.muli %add3A_494, %mul3A_503 : i32
          %swap3A_505 = arith.constant 0 : i32
          %swap3A_506 = arith.index_cast %swap3A_505 : i32 to index
          %swap3A_507 = arith.index_cast %add3A_440 : i32 to index
          %swap3A_508 = arith.index_cast %mul3A_504 : i32 to index
          %swap3A_509 = tpu.vector_load %arg7[%swap3A_506, %swap3A_507, %swap3A_508] {strides = array<i32>} : memref<4x8x1024xf32, #tpu.memory_space<vmem>>, vector<1x1x16xf32>,
          %swap3A_510 = vector.shape_cast %swap3A_509 : vector<1x1x16xf32> to vector<16xf32>
          %swap3A_511 = vector.shape_cast %get3A_502 : vector<16xf32> to vector<1x1x16xf32>
          tpu.vector_store %arg7[%swap3A_506, %swap3A_507, %swap3A_508], %swap3A_511 {add = true, strides = array<i32>} : memref<4x8x1024xf32, #tpu.memory_space<vmem>>, vector<1x1x16xf32>,
          %scan3A_512 = arith.constant 3 : i32
          %scan3A_513 = arith.addi %scan3A_446, %scan3A_512 : i32
          %mul3A_514 = arith.constant 1 : i32
          %mul3A_515 = arith.muli %scan3A_513, %mul3A_514 : i32
          %add3A_516 = arith.constant 0 : i32
          %add3A_517 = arith.addi %add3A_516, %mul3A_515 : i32
          %mul3A_518 = arith.constant 16 : i32
          %mul3A_519 = arith.muli %add3A_517, %mul3A_518 : i32
          %get3A_520 = arith.constant 0 : i32
          %get3A_521 = arith.index_cast %get3A_520 : i32 to index
          %get3A_522 = arith.index_cast %add3A_440 : i32 to index
          %get3A_523 = arith.index_cast %mul3A_519 : i32 to index
          %get3A_524 = tpu.vector_load %arg8[%get3A_521, %get3A_522, %get3A_523] {strides = array<i32>} : memref<4x8x1024xf32, #tpu.memory_space<vmem>>, vector<1x1x16xf32>,
          %get3A_525 = vector.shape_cast %get3A_524 : vector<1x1x16xf32> to vector<16xf32>
          %mul3A_526 = arith.constant 16 : i32
          %mul3A_527 = arith.muli %add3A_517, %mul3A_526 : i32
          %swap3A_528 = arith.constant 0 : i32
          %swap3A_529 = arith.index_cast %swap3A_528 : i32 to index
          %swap3A_530 = arith.index_cast %add3A_440 : i32 to index
          %swap3A_531 = arith.index_cast %mul3A_527 : i32 to index
          %swap3A_532 = tpu.vector_load %arg7[%swap3A_529, %swap3A_530, %swap3A_531] {strides = array<i32>} : memref<4x8x1024xf32, #tpu.memory_space<vmem>>, vector<1x1x16xf32>,
          %swap3A_533 = vector.shape_cast %swap3A_532 : vector<1x1x16xf32> to vector<16xf32>
          %swap3A_534 = vector.shape_cast %get3A_525 : vector<16xf32> to vector<1x1x16xf32>
          tpu.vector_store %arg7[%swap3A_529, %swap3A_530, %swap3A_531], %swap3A_534 {add = true, strides = array<i32>} : memref<4x8x1024xf32, #tpu.memory_space<vmem>>, vector<1x1x16xf32>,
          %scan3A_535 = arith.constant 4 : i32
          %scan3A_536 = arith.addi %scan3A_446, %scan3A_535 : i32
          %mul3A_537 = arith.constant 1 : i32
          %mul3A_538 = arith.muli %scan3A_536, %mul3A_537 : i32
          %add3A_539 = arith.constant 0 : i32
          %add3A_540 = arith.addi %add3A_539, %mul3A_538 : i32
          %mul3A_541 = arith.constant 16 : i32
          %mul3A_542 = arith.muli %add3A_540, %mul3A_541 : i32
          %get3A_543 = arith.constant 0 : i32
          %get3A_544 = arith.index_cast %get3A_543 : i32 to index
          %get3A_545 = arith.index_cast %add3A_440 : i32 to index
          %get3A_546 = arith.index_cast %mul3A_542 : i32 to index
          %get3A_547 = tpu.vector_load %arg8[%get3A_544, %get3A_545, %get3A_546] {strides = array<i32>} : memref<4x8x1024xf32, #tpu.memory_space<vmem>>, vector<1x1x16xf32>,
          %get3A_548 = vector.shape_cast %get3A_547 : vector<1x1x16xf32> to vector<16xf32>
          %mul3A_549 = arith.constant 16 : i32
          %mul3A_550 = arith.muli %add3A_540, %mul3A_549 : i32
          %swap3A_551 = arith.constant 0 : i32
          %swap3A_552 = arith.index_cast %swap3A_551 : i32 to index
          %swap3A_553 = arith.index_cast %add3A_440 : i32 to index
          %swap3A_554 = arith.index_cast %mul3A_550 : i32 to index
          %swap3A_555 = tpu.vector_load %arg7[%swap3A_552, %swap3A_553, %swap3A_554] {strides = array<i32>} : memref<4x8x1024xf32, #tpu.memory_space<vmem>>, vector<1x1x16xf32>,
          %swap3A_556 = vector.shape_cast %swap3A_555 : vector<1x1x16xf32> to vector<16xf32>
          %swap3A_557 = vector.shape_cast %get3A_548 : vector<16xf32> to vector<1x1x16xf32>
          tpu.vector_store %arg7[%swap3A_552, %swap3A_553, %swap3A_554], %swap3A_557 {add = true, strides = array<i32>} : memref<4x8x1024xf32, #tpu.memory_space<vmem>>, vector<1x1x16xf32>,
          %scan3A_558 = arith.constant 5 : i32
          %scan3A_559 = arith.addi %scan3A_446, %scan3A_558 : i32
          %mul3A_560 = arith.constant 1 : i32
          %mul3A_561 = arith.muli %scan3A_559, %mul3A_560 : i32
          %add3A_562 = arith.constant 0 : i32
          %add3A_563 = arith.addi %add3A_562, %mul3A_561 : i32
          %mul3A_564 = arith.constant 16 : i32
          %mul3A_565 = arith.muli %add3A_563, %mul3A_564 : i32
          %get3A_566 = arith.constant 0 : i32
          %get3A_567 = arith.index_cast %get3A_566 : i32 to index
          %get3A_568 = arith.index_cast %add3A_440 : i32 to index
          %get3A_569 = arith.index_cast %mul3A_565 : i32 to index
          %get3A_570 = tpu.vector_load %arg8[%get3A_567, %get3A_568, %get3A_569] {strides = array<i32>} : memref<4x8x1024xf32, #tpu.memory_space<vmem>>, vector<1x1x16xf32>,
          %get3A_571 = vector.shape_cast %get3A_570 : vector<1x1x16xf32> to vector<16xf32>
          %mul3A_572 = arith.constant 16 : i32
          %mul3A_573 = arith.muli %add3A_563, %mul3A_572 : i32
          %swap3A_574 = arith.constant 0 : i32
          %swap3A_575 = arith.index_cast %swap3A_574 : i32 to index
          %swap3A_576 = arith.index_cast %add3A_440 : i32 to index
          %swap3A_577 = arith.index_cast %mul3A_573 : i32 to index
          %swap3A_578 = tpu.vector_load %arg7[%swap3A_575, %swap3A_576, %swap3A_577] {strides = array<i32>} : memref<4x8x1024xf32, #tpu.memory_space<vmem>>, vector<1x1x16xf32>,
          %swap3A_579 = vector.shape_cast %swap3A_578 : vector<1x1x16xf32> to vector<16xf32>
          %swap3A_580 = vector.shape_cast %get3A_571 : vector<16xf32> to vector<1x1x16xf32>
          tpu.vector_store %arg7[%swap3A_575, %swap3A_576, %swap3A_577], %swap3A_580 {add = true, strides = array<i32>} : memref<4x8x1024xf32, #tpu.memory_space<vmem>>, vector<1x1x16xf32>,
          %scan3A_581 = arith.constant 6 : i32
          %scan3A_582 = arith.addi %scan3A_446, %scan3A_581 : i32
          %mul3A_583 = arith.constant 1 : i32
          %mul3A_584 = arith.muli %scan3A_582, %mul3A_583 : i32
          %add3A_585 = arith.constant 0 : i32
          %add3A_586 = arith.addi %add3A_585, %mul3A_584 : i32
          %mul3A_587 = arith.constant 16 : i32
          %mul3A_588 = arith.muli %add3A_586, %mul3A_587 : i32
          %get3A_589 = arith.constant 0 : i32
          %get3A_590 = arith.index_cast %get3A_589 : i32 to index
          %get3A_591 = arith.index_cast %add3A_440 : i32 to index
          %get3A_592 = arith.index_cast %mul3A_588 : i32 to index
          %get3A_593 = tpu.vector_load %arg8[%get3A_590, %get3A_591, %get3A_592] {strides = array<i32>} : memref<4x8x1024xf32, #tpu.memory_space<vmem>>, vector<1x1x16xf32>,
          %get3A_594 = vector.shape_cast %get3A_593 : vector<1x1x16xf32> to vector<16xf32>
          %mul3A_595 = arith.constant 16 : i32
          %mul3A_596 = arith.muli %add3A_586, %mul3A_595 : i32
          %swap3A_597 = arith.constant 0 : i32
          %swap3A_598 = arith.index_cast %swap3A_597 : i32 to index
          %swap3A_599 = arith.index_cast %add3A_440 : i32 to index
          %swap3A_600 = arith.index_cast %mul3A_596 : i32 to index
          %swap3A_601 = tpu.vector_load %arg7[%swap3A_598, %swap3A_599, %swap3A_600] {strides = array<i32>} : memref<4x8x1024xf32, #tpu.memory_space<vmem>>, vector<1x1x16xf32>,
          %swap3A_602 = vector.shape_cast %swap3A_601 : vector<1x1x16xf32> to vector<16xf32>
          %swap3A_603 = vector.shape_cast %get3A_594 : vector<16xf32> to vector<1x1x16xf32>
          tpu.vector_store %arg7[%swap3A_598, %swap3A_599, %swap3A_600], %swap3A_603 {add = true, strides = array<i32>} : memref<4x8x1024xf32, #tpu.memory_space<vmem>>, vector<1x1x16xf32>,
          %scan3A_604 = arith.constant 7 : i32
          %scan3A_605 = arith.addi %scan3A_446, %scan3A_604 : i32
          %mul3A_606 = arith.constant 1 : i32
          %mul3A_607 = arith.muli %scan3A_605, %mul3A_606 : i32
          %add3A_608 = arith.constant 0 : i32
          %add3A_609 = arith.addi %add3A_608, %mul3A_607 : i32
          %mul3A_610 = arith.constant 16 : i32
          %mul3A_611 = arith.muli %add3A_609, %mul3A_610 : i32
          %get3A_612 = arith.constant 0 : i32
          %get3A_613 = arith.index_cast %get3A_612 : i32 to index
          %get3A_614 = arith.index_cast %add3A_440 : i32 to index
          %get3A_615 = arith.index_cast %mul3A_611 : i32 to index
          %get3A_616 = tpu.vector_load %arg8[%get3A_613, %get3A_614, %get3A_615] {strides = array<i32>} : memref<4x8x1024xf32, #tpu.memory_space<vmem>>, vector<1x1x16xf32>,
          %get3A_617 = vector.shape_cast %get3A_616 : vector<1x1x16xf32> to vector<16xf32>
          %mul3A_618 = arith.constant 16 : i32
          %mul3A_619 = arith.muli %add3A_609, %mul3A_618 : i32
          %swap3A_620 = arith.constant 0 : i32
          %swap3A_621 = arith.index_cast %swap3A_620 : i32 to index
          %swap3A_622 = arith.index_cast %add3A_440 : i32 to index
          %swap3A_623 = arith.index_cast %mul3A_619 : i32 to index
          %swap3A_624 = tpu.vector_load %arg7[%swap3A_621, %swap3A_622, %swap3A_623] {strides = array<i32>} : memref<4x8x1024xf32, #tpu.memory_space<vmem>>, vector<1x1x16xf32>,
          %swap3A_625 = vector.shape_cast %swap3A_624 : vector<1x1x16xf32> to vector<16xf32>
          %swap3A_626 = vector.shape_cast %get3A_617 : vector<16xf32> to vector<1x1x16xf32>
          tpu.vector_store %arg7[%swap3A_621, %swap3A_622, %swap3A_623], %swap3A_626 {add = true, strides = array<i32>} : memref<4x8x1024xf32, #tpu.memory_space<vmem>>, vector<1x1x16xf32>,
        }
        %scan3A_445 = arith.constant 64 : i32
      }
      %scan3A_218 = arith.constant 8 : i32
      %mul3A_219 = arith.constant 8 : i32
      %mul3A_220 = arith.muli %add3A_176, %mul3A_219 : i32
      %add3A_221 = arith.addi %mul3A_2, %mul3A_220 : i32
      %dma_start3A_222 = arith.constant 0 : i32
      %dma_start3A_223 = arith.constant 0 : i32
      %dma_start3A_224 = arith.constant 0 : i32
      %dma_start3A_225 = arith.constant 0 : i32
      %dma_start3A_226 = tpu.memref_slice %arg7[%dma_start3A_222, %dma_start3A_224, %dma_start3A_225] : memref<4x8x1024xf32, #tpu.memory_space<vmem>> -> memref<1x8x1024xf32, #tpu.memory_space<vmem>>
      %dma_start3A_227 = tpu.memref_squeeze %dma_start3A_226 : memref<1x8x1024xf32, #tpu.memory_space<vmem>> -> memref<8x1024xf32, #tpu.memory_space<vmem>>
      %dma_start3A_228 = arith.constant 0 : i32
      %dma_start3A_229 = tpu.memref_slice %arg5[%add3A_221, %dma_start3A_228] : memref<32768x1024xf32, #tpu.memory_space<hbm>> -> memref<8x1024xf32, #tpu.memory_space<hbm>>
      %dma_start3A_230 = tpu.memref_slice %arg11[%dma_start3A_223] : memref<4x!tpu.dma_semaphore, #tpu.memory_space<semaphore_mem>> -> memref<1x!tpu.dma_semaphore, #tpu.memory_space<semaphore_mem>>
      %dma_start3A_231 = tpu.memref_squeeze %dma_start3A_230 : memref<1x!tpu.dma_semaphore, #tpu.memory_space<semaphore_mem>> -> memref<!tpu.dma_semaphore, #tpu.memory_space<semaphore_mem>>
      %dma_start3A_232 = arith.constant 0 : i32
      %dma_start3A_233 = tpu.memref_slice %arg5[%add3A_221, %dma_start3A_232] : memref<32768x1024xf32, #tpu.memory_space<hbm>> -> memref<8x1024xf32, #tpu.memory_space<hbm>>
      %dma_start3A_234 = arith.constant 0 : i32
      %dma_start3A_235 = arith.constant 0 : i32
      %dma_start3A_236 = tpu.memref_slice %arg7[%dma_start3A_222, %dma_start3A_234, %dma_start3A_235] : memref<4x8x1024xf32, #tpu.memory_space<vmem>> -> memref<1x8x1024xf32, #tpu.memory_space<vmem>>
      %dma_start3A_237 = tpu.memref_squeeze %dma_start3A_236 : memref<1x8x1024xf32, #tpu.memory_space<vmem>> -> memref<8x1024xf32, #tpu.memory_space<vmem>>
      tpu.enqueue_dma source(%dma_start3A_237 : memref<8x1024xf32, #tpu.memory_space<vmem>>) target(%dma_start3A_233 : memref<8x1024xf32, #tpu.memory_space<hbm>>) target_semaphore(%dma_start3A_231 : memref<!tpu.dma_semaphore, #tpu.memory_space<semaphore_mem>>)
      %add3A_238 = arith.constant 1 : i32
      %add3A_239 = arith.addi %add3A_174, %add3A_238 : i32
      %add3A_240 = arith.constant 3 : i32
      %add3A_241 = arith.addi %add3A_239, %add3A_240 : i32
      %lt3A_242 = arith.constant 128 : i32
      %lt3A_243 = arith.cmpi slt, %add3A_241, %lt3A_242 : i32
      %convert_element_type3A_244 = arith.extui %lt3A_243 : i1 to i32
      %cond3A_245 = arith.constant 0 : i32
      %cond3A_246 = arith.cmpi ne, %convert_element_type3A_244, %cond3A_245 : i32
      scf.if %cond3A_246 {
        %ge3A = arith.constant 1 : i32
        %ge3A_436 = arith.cmpi sge, %add3A_239, %ge3A : i32
        %convert_element_type3A_437 = arith.extui %ge3A_436 : i1 to i32
        %cond3A_438 = arith.constant 0 : i32
        %cond3A_439 = arith.cmpi ne, %convert_element_type3A_437, %cond3A_438 : i32
        scf.if %cond3A_439 {
          %sub3A = arith.constant 1 : i32
          %sub3A_473 = arith.subi %add3A_239, %sub3A : i32
          %mul3A_474 = arith.constant 8 : i32
          %mul3A_475 = arith.muli %sub3A_473, %mul3A_474 : i32
          %add3A_476 = arith.addi %mul3A_2, %mul3A_475 : i32
          %dma_wait3A_477 = arith.constant 0 : i32
          %dma_wait3A_478 = arith.constant 0 : i32
          %dma_wait3A_479 = arith.constant 0 : i32
          %dma_wait3A_480 = arith.constant 0 : i32
          %dma_wait3A_481 = tpu.memref_slice %arg7[%dma_wait3A_477, %dma_wait3A_479, %dma_wait3A_480] : memref<4x8x1024xf32, #tpu.memory_space<vmem>> -> memref<1x8x1024xf32, #tpu.memory_space<vmem>>
          %dma_wait3A_482 = tpu.memref_squeeze %dma_wait3A_481 : memref<1x8x1024xf32, #tpu.memory_space<vmem>> -> memref<8x1024xf32, #tpu.memory_space<vmem>>
          %dma_wait3A_483 = arith.constant 0 : i32
          %dma_wait3A_484 = tpu.memref_slice %arg5[%add3A_476, %dma_wait3A_483] : memref<32768x1024xf32, #tpu.memory_space<hbm>> -> memref<8x1024xf32, #tpu.memory_space<hbm>>
          %dma_wait3A_485 = tpu.memref_slice %arg11[%dma_wait3A_478] : memref<4x!tpu.dma_semaphore, #tpu.memory_space<semaphore_mem>> -> memref<1x!tpu.dma_semaphore, #tpu.memory_space<semaphore_mem>>
          %dma_wait3A_486 = tpu.memref_squeeze %dma_wait3A_485 : memref<1x!tpu.dma_semaphore, #tpu.memory_space<semaphore_mem>> -> memref<!tpu.dma_semaphore, #tpu.memory_space<semaphore_mem>>
          %dma_wait3A_487 = arith.constant 0 : i32
          %dma_wait3A_488 = tpu.memref_slice %arg5[%add3A_476, %dma_wait3A_487] : memref<32768x1024xf32, #tpu.memory_space<hbm>> -> memref<8x1024xf32, #tpu.memory_space<hbm>>
          %dma_wait3A_489 = arith.constant 0 : i32
          %dma_wait3A_490 = arith.constant 0 : i32
          %dma_wait3A_491 = tpu.memref_slice %arg7[%dma_wait3A_477, %dma_wait3A_489, %dma_wait3A_490] : memref<4x8x1024xf32, #tpu.memory_space<vmem>> -> memref<1x8x1024xf32, #tpu.memory_space<vmem>>
          %dma_wait3A_492 = tpu.memref_squeeze %dma_wait3A_491 : memref<1x8x1024xf32, #tpu.memory_space<vmem>> -> memref<8x1024xf32, #tpu.memory_space<vmem>>
          tpu.wait_dma2 semaphore(%dma_wait3A_486 : memref<!tpu.dma_semaphore, #tpu.memory_space<semaphore_mem>>) src(%dma_wait3A_492 : memref<8x1024xf32, #tpu.memory_space<vmem>>) dst(%dma_wait3A_488 : memref<8x1024xf32, #tpu.memory_space<hbm>>)
        } else {
        }
        %mul3A_440 = arith.constant 8 : i32
        %mul3A_441 = arith.muli %add3A_241, %mul3A_440 : i32
        %dma_start3A_442 = arith.constant 0 : i32
        %dma_start3A_443 = arith.constant 0 : i32
        %dma_start3A_444 = arith.constant 0 : i32
        %dma_start3A_445 = arith.constant 0 : i32
        %dma_start3A_446 = tpu.memref_slice %arg7[%dma_start3A_442, %dma_start3A_444, %dma_start3A_445] : memref<4x8x1024xf32, #tpu.memory_space<vmem>> -> memref<1x8x1024xf32, #tpu.memory_space<vmem>>
        %dma_start3A_447 = tpu.memref_squeeze %dma_start3A_446 : memref<1x8x1024xf32, #tpu.memory_space<vmem>> -> memref<8x1024xf32, #tpu.memory_space<vmem>>
        %dma_start3A_448 = tpu.memref_slice %arg6[%mul3A_441] : memref<1024xi32, #tpu.memory_space<vmem>> -> memref<8xi32, #tpu.memory_space<vmem>>
        %dma_start3A_449 = arith.constant 0 : i32
        %dma_start3A_450 = arith.constant 0 : i32
        %dma_start3A_451 = tpu.memref_slice %arg4[%dma_start3A_449, %dma_start3A_450] : memref<8192x1024xf32, #tpu.memory_space<hbm>> -> memref<8192x1024xf32, #tpu.memory_space<hbm>>
        %dma_start3A_452 = tpu.memref_slice %arg9[%dma_start3A_443] : memref<4x!tpu.dma_semaphore, #tpu.memory_space<semaphore_mem>> -> memref<1x!tpu.dma_semaphore, #tpu.memory_space<semaphore_mem>>
        %dma_start3A_453 = tpu.memref_squeeze %dma_start3A_452 : memref<1x!tpu.dma_semaphore, #tpu.memory_space<semaphore_mem>> -> memref<!tpu.dma_semaphore, #tpu.memory_space<semaphore_mem>>
        tpu.enqueue_indirect_dma source(%dma_start3A_451 : memref<8192x1024xf32, #tpu.memory_space<hbm>>) target(%dma_start3A_447 : memref<8x1024xf32, #tpu.memory_space<vmem>>) offsets(%dma_start3A_448 : memref<8xi32, #tpu.memory_space<vmem>>) semaphore(%dma_start3A_453 : memref<!tpu.dma_semaphore, #tpu.memory_space<semaphore_mem>>)
        %mul3A_454 = arith.constant 8 : i32
        %mul3A_455 = arith.muli %add3A_241, %mul3A_454 : i32
        %add3A_456 = arith.addi %mul3A_2, %mul3A_455 : i32
        %dma_start3A_457 = arith.constant 0 : i32
        %dma_start3A_458 = arith.constant 0 : i32
        %dma_start3A_459 = arith.constant 0 : i32
        %dma_start3A_460 = arith.constant 0 : i32
        %dma_start3A_461 = tpu.memref_slice %arg8[%dma_start3A_457, %dma_start3A_459, %dma_start3A_460] : memref<4x8x1024xf32, #tpu.memory_space<vmem>> -> memref<1x8x1024xf32, #tpu.memory_space<vmem>>
        %dma_start3A_462 = tpu.memref_squeeze %dma_start3A_461 : memref<1x8x1024xf32, #tpu.memory_space<vmem>> -> memref<8x1024xf32, #tpu.memory_space<vmem>>
        %dma_start3A_463 = arith.constant 0 : i32
        %dma_start3A_464 = tpu.memref_slice %arg2[%add3A_456, %dma_start3A_463] : memref<32768x1024xf32, #tpu.memory_space<hbm>> -> memref<8x1024xf32, #tpu.memory_space<hbm>>
        %dma_start3A_465 = tpu.memref_slice %arg10[%dma_start3A_458] : memref<4x!tpu.dma_semaphore, #tpu.memory_space<semaphore_mem>> -> memref<1x!tpu.dma_semaphore, #tpu.memory_space<semaphore_mem>>
        %dma_start3A_466 = tpu.memref_squeeze %dma_start3A_465 : memref<1x!tpu.dma_semaphore, #tpu.memory_space<semaphore_mem>> -> memref<!tpu.dma_semaphore, #tpu.memory_space<semaphore_mem>>
        %dma_start3A_467 = arith.constant 0 : i32
        %dma_start3A_468 = arith.constant 0 : i32
        %dma_start3A_469 = tpu.memref_slice %arg8[%dma_start3A_457, %dma_start3A_467, %dma_start3A_468] : memref<4x8x1024xf32, #tpu.memory_space<vmem>> -> memref<1x8x1024xf32, #tpu.memory_space<vmem>>
        %dma_start3A_470 = tpu.memref_squeeze %dma_start3A_469 : memref<1x8x1024xf32, #tpu.memory_space<vmem>> -> memref<8x1024xf32, #tpu.memory_space<vmem>>
        %dma_start3A_471 = arith.constant 0 : i32
        %dma_start3A_472 = tpu.memref_slice %arg2[%add3A_456, %dma_start3A_471] : memref<32768x1024xf32, #tpu.memory_space<hbm>> -> memref<8x1024xf32, #tpu.memory_space<hbm>>
        tpu.enqueue_dma source(%dma_start3A_472 : memref<8x1024xf32, #tpu.memory_space<hbm>>) target(%dma_start3A_470 : memref<8x1024xf32, #tpu.memory_space<vmem>>) target_semaphore(%dma_start3A_466 : memref<!tpu.dma_semaphore, #tpu.memory_space<semaphore_mem>>)
      } else {
      }
      %mul3A_247 = arith.constant 8 : i32
      %mul3A_248 = arith.muli %add3A_239, %mul3A_247 : i32
      %dma_wait3A_249 = arith.constant 1 : i32
      %dma_wait3A_250 = arith.constant 1 : i32
      %dma_wait3A_251 = arith.constant 0 : i32
      %dma_wait3A_252 = arith.constant 0 : i32
      %dma_wait3A_253 = tpu.memref_slice %arg7[%dma_wait3A_249, %dma_wait3A_251, %dma_wait3A_252] : memref<4x8x1024xf32, #tpu.memory_space<vmem>> -> memref<1x8x1024xf32, #tpu.memory_space<vmem>>
      %dma_wait3A_254 = tpu.memref_squeeze %dma_wait3A_253 : memref<1x8x1024xf32, #tpu.memory_space<vmem>> -> memref<8x1024xf32, #tpu.memory_space<vmem>>
      %dma_wait3A_255 = tpu.memref_slice %arg6[%mul3A_248] : memref<1024xi32, #tpu.memory_space<vmem>> -> memref<8xi32, #tpu.memory_space<vmem>>
      %dma_wait3A_256 = arith.constant 0 : i32
      %dma_wait3A_257 = arith.constant 0 : i32
      %dma_wait3A_258 = tpu.memref_slice %arg4[%dma_wait3A_256, %dma_wait3A_257] : memref<8192x1024xf32, #tpu.memory_space<hbm>> -> memref<8192x1024xf32, #tpu.memory_space<hbm>>
      %dma_wait3A_259 = tpu.memref_slice %arg9[%dma_wait3A_250] : memref<4x!tpu.dma_semaphore, #tpu.memory_space<semaphore_mem>> -> memref<1x!tpu.dma_semaphore, #tpu.memory_space<semaphore_mem>>
      %dma_wait3A_260 = tpu.memref_squeeze %dma_wait3A_259 : memref<1x!tpu.dma_semaphore, #tpu.memory_space<semaphore_mem>> -> memref<!tpu.dma_semaphore, #tpu.memory_space<semaphore_mem>>
      tpu.wait_indirect_dma semaphore(%dma_wait3A_260 : memref<!tpu.dma_semaphore, #tpu.memory_space<semaphore_mem>>) src(%dma_wait3A_258 : memref<8192x1024xf32, #tpu.memory_space<hbm>>) dst(%dma_wait3A_254 : memref<8x1024xf32, #tpu.memory_space<vmem>>)
      %mul3A_261 = arith.constant 8 : i32
      %mul3A_262 = arith.muli %add3A_239, %mul3A_261 : i32
      %add3A_263 = arith.addi %mul3A_2, %mul3A_262 : i32
      %dma_wait3A_264 = arith.constant 1 : i32
      %dma_wait3A_265 = arith.constant 1 : i32
      %dma_wait3A_266 = arith.constant 0 : i32
      %dma_wait3A_267 = arith.constant 0 : i32
      %dma_wait3A_268 = tpu.memref_slice %arg8[%dma_wait3A_264, %dma_wait3A_266, %dma_wait3A_267] : memref<4x8x1024xf32, #tpu.memory_space<vmem>> -> memref<1x8x1024xf32, #tpu.memory_space<vmem>>
      %dma_wait3A_269 = tpu.memref_squeeze %dma_wait3A_268 : memref<1x8x1024xf32, #tpu.memory_space<vmem>> -> memref<8x1024xf32, #tpu.memory_space<vmem>>
      %dma_wait3A_270 = arith.constant 0 : i32
      %dma_wait3A_271 = tpu.memref_slice %arg2[%add3A_263, %dma_wait3A_270] : memref<32768x1024xf32, #tpu.memory_space<hbm>> -> memref<8x1024xf32, #tpu.memory_space<hbm>>
      %dma_wait3A_272 = tpu.memref_slice %arg10[%dma_wait3A_265] : memref<4x!tpu.dma_semaphore, #tpu.memory_space<semaphore_mem>> -> memref<1x!tpu.dma_semaphore, #tpu.memory_space<semaphore_mem>>
      %dma_wait3A_273 = tpu.memref_squeeze %dma_wait3A_272 : memref<1x!tpu.dma_semaphore, #tpu.memory_space<semaphore_mem>> -> memref<!tpu.dma_semaphore, #tpu.memory_space<semaphore_mem>>
      %dma_wait3A_274 = arith.constant 0 : i32
      %dma_wait3A_275 = arith.constant 0 : i32
      %dma_wait3A_276 = tpu.memref_slice %arg8[%dma_wait3A_264, %dma_wait3A_274, %dma_wait3A_275] : memref<4x8x1024xf32, #tpu.memory_space<vmem>> -> memref<1x8x1024xf32, #tpu.memory_space<vmem>>
      %dma_wait3A_277 = tpu.memref_squeeze %dma_wait3A_276 : memref<1x8x1024xf32, #tpu.memory_space<vmem>> -> memref<8x1024xf32, #tpu.memory_space<vmem>>
      %dma_wait3A_278 = arith.constant 0 : i32
      %dma_wait3A_279 = tpu.memref_slice %arg2[%add3A_263, %dma_wait3A_278] : memref<32768x1024xf32, #tpu.memory_space<hbm>> -> memref<8x1024xf32, #tpu.memory_space<hbm>>
      tpu.wait_dma2 semaphore(%dma_wait3A_273 : memref<!tpu.dma_semaphore, #tpu.memory_space<semaphore_mem>>) src(%dma_wait3A_279 : memref<8x1024xf32, #tpu.memory_space<hbm>>) dst(%dma_wait3A_277 : memref<8x1024xf32, #tpu.memory_space<vmem>>)
      %scan3A_280 = arith.constant 0 : i32
      %scan3A_281 = arith.constant 8 : i32
      %scan3A_282 = arith.addi %scan3A_280, %scan3A_281 : i32
      %scan3A_283 = arith.constant 1 : i32
      scf.for %scan3A_436 = %scan3A_280 to %scan3A_282 step %scan3A_283  : i32 {
        %mul3A_437 = arith.constant 1 : i32
        %mul3A_438 = arith.muli %scan3A_436, %mul3A_437 : i32
        %add3A_439 = arith.constant 0 : i32
        %add3A_440 = arith.addi %add3A_439, %mul3A_438 : i32
        %scan3A_441 = arith.constant 0 : i32
        %scan3A_442 = arith.constant 64 : i32
        %scan3A_443 = arith.addi %scan3A_441, %scan3A_442 : i32
        %scan3A_444 = arith.constant 8 : i32
        scf.for %scan3A_446 = %scan3A_441 to %scan3A_443 step %scan3A_444  : i32 {
          %mul3A_447 = arith.constant 1 : i32
          %mul3A_448 = arith.muli %scan3A_446, %mul3A_447 : i32
          %add3A_449 = arith.constant 0 : i32
          %add3A_450 = arith.addi %add3A_449, %mul3A_448 : i32
          %mul3A_451 = arith.constant 16 : i32
          %mul3A_452 = arith.muli %add3A_450, %mul3A_451 : i32
          %get3A = arith.constant 1 : i32
          %get3A_453 = arith.index_cast %get3A : i32 to index
          %get3A_454 = arith.index_cast %add3A_440 : i32 to index
          %get3A_455 = arith.index_cast %mul3A_452 : i32 to index
          %get3A_456 = tpu.vector_load %arg8[%get3A_453, %get3A_454, %get3A_455] {strides = array<i32>} : memref<4x8x1024xf32, #tpu.memory_space<vmem>>, vector<1x1x16xf32>,
          %get3A_457 = vector.shape_cast %get3A_456 : vector<1x1x16xf32> to vector<16xf32>
          %mul3A_458 = arith.constant 16 : i32
          %mul3A_459 = arith.muli %add3A_450, %mul3A_458 : i32
          %swap3A = arith.constant 1 : i32
          %swap3A_460 = arith.index_cast %swap3A : i32 to index
          %swap3A_461 = arith.index_cast %add3A_440 : i32 to index
          %swap3A_462 = arith.index_cast %mul3A_459 : i32 to index
          %swap3A_463 = tpu.vector_load %arg7[%swap3A_460, %swap3A_461, %swap3A_462] {strides = array<i32>} : memref<4x8x1024xf32, #tpu.memory_space<vmem>>, vector<1x1x16xf32>,
          %swap3A_464 = vector.shape_cast %swap3A_463 : vector<1x1x16xf32> to vector<16xf32>
          %swap3A_465 = vector.shape_cast %get3A_457 : vector<16xf32> to vector<1x1x16xf32>
          tpu.vector_store %arg7[%swap3A_460, %swap3A_461, %swap3A_462], %swap3A_465 {add = true, strides = array<i32>} : memref<4x8x1024xf32, #tpu.memory_space<vmem>>, vector<1x1x16xf32>,
          %scan3A_466 = arith.constant 1 : i32
          %scan3A_467 = arith.addi %scan3A_446, %scan3A_466 : i32
          %mul3A_468 = arith.constant 1 : i32
          %mul3A_469 = arith.muli %scan3A_467, %mul3A_468 : i32
          %add3A_470 = arith.constant 0 : i32
          %add3A_471 = arith.addi %add3A_470, %mul3A_469 : i32
          %mul3A_472 = arith.constant 16 : i32
          %mul3A_473 = arith.muli %add3A_471, %mul3A_472 : i32
          %get3A_474 = arith.constant 1 : i32
          %get3A_475 = arith.index_cast %get3A_474 : i32 to index
          %get3A_476 = arith.index_cast %add3A_440 : i32 to index
          %get3A_477 = arith.index_cast %mul3A_473 : i32 to index
          %get3A_478 = tpu.vector_load %arg8[%get3A_475, %get3A_476, %get3A_477] {strides = array<i32>} : memref<4x8x1024xf32, #tpu.memory_space<vmem>>, vector<1x1x16xf32>,
          %get3A_479 = vector.shape_cast %get3A_478 : vector<1x1x16xf32> to vector<16xf32>
          %mul3A_480 = arith.constant 16 : i32
          %mul3A_481 = arith.muli %add3A_471, %mul3A_480 : i32
          %swap3A_482 = arith.constant 1 : i32
          %swap3A_483 = arith.index_cast %swap3A_482 : i32 to index
          %swap3A_484 = arith.index_cast %add3A_440 : i32 to index
          %swap3A_485 = arith.index_cast %mul3A_481 : i32 to index
          %swap3A_486 = tpu.vector_load %arg7[%swap3A_483, %swap3A_484, %swap3A_485] {strides = array<i32>} : memref<4x8x1024xf32, #tpu.memory_space<vmem>>, vector<1x1x16xf32>,
          %swap3A_487 = vector.shape_cast %swap3A_486 : vector<1x1x16xf32> to vector<16xf32>
          %swap3A_488 = vector.shape_cast %get3A_479 : vector<16xf32> to vector<1x1x16xf32>
          tpu.vector_store %arg7[%swap3A_483, %swap3A_484, %swap3A_485], %swap3A_488 {add = true, strides = array<i32>} : memref<4x8x1024xf32, #tpu.memory_space<vmem>>, vector<1x1x16xf32>,
          %scan3A_489 = arith.constant 2 : i32
          %scan3A_490 = arith.addi %scan3A_446, %scan3A_489 : i32
          %mul3A_491 = arith.constant 1 : i32
          %mul3A_492 = arith.muli %scan3A_490, %mul3A_491 : i32
          %add3A_493 = arith.constant 0 : i32
          %add3A_494 = arith.addi %add3A_493, %mul3A_492 : i32
          %mul3A_495 = arith.constant 16 : i32
          %mul3A_496 = arith.muli %add3A_494, %mul3A_495 : i32
          %get3A_497 = arith.constant 1 : i32
          %get3A_498 = arith.index_cast %get3A_497 : i32 to index
          %get3A_499 = arith.index_cast %add3A_440 : i32 to index
          %get3A_500 = arith.index_cast %mul3A_496 : i32 to index
          %get3A_501 = tpu.vector_load %arg8[%get3A_498, %get3A_499, %get3A_500] {strides = array<i32>} : memref<4x8x1024xf32, #tpu.memory_space<vmem>>, vector<1x1x16xf32>,
          %get3A_502 = vector.shape_cast %get3A_501 : vector<1x1x16xf32> to vector<16xf32>
          %mul3A_503 = arith.constant 16 : i32
          %mul3A_504 = arith.muli %add3A_494, %mul3A_503 : i32
          %swap3A_505 = arith.constant 1 : i32
          %swap3A_506 = arith.index_cast %swap3A_505 : i32 to index
          %swap3A_507 = arith.index_cast %add3A_440 : i32 to index
          %swap3A_508 = arith.index_cast %mul3A_504 : i32 to index
          %swap3A_509 = tpu.vector_load %arg7[%swap3A_506, %swap3A_507, %swap3A_508] {strides = array<i32>} : memref<4x8x1024xf32, #tpu.memory_space<vmem>>, vector<1x1x16xf32>,
          %swap3A_510 = vector.shape_cast %swap3A_509 : vector<1x1x16xf32> to vector<16xf32>
          %swap3A_511 = vector.shape_cast %get3A_502 : vector<16xf32> to vector<1x1x16xf32>
          tpu.vector_store %arg7[%swap3A_506, %swap3A_507, %swap3A_508], %swap3A_511 {add = true, strides = array<i32>} : memref<4x8x1024xf32, #tpu.memory_space<vmem>>, vector<1x1x16xf32>,
          %scan3A_512 = arith.constant 3 : i32
          %scan3A_513 = arith.addi %scan3A_446, %scan3A_512 : i32
          %mul3A_514 = arith.constant 1 : i32
          %mul3A_515 = arith.muli %scan3A_513, %mul3A_514 : i32
          %add3A_516 = arith.constant 0 : i32
          %add3A_517 = arith.addi %add3A_516, %mul3A_515 : i32
          %mul3A_518 = arith.constant 16 : i32
          %mul3A_519 = arith.muli %add3A_517, %mul3A_518 : i32
          %get3A_520 = arith.constant 1 : i32
          %get3A_521 = arith.index_cast %get3A_520 : i32 to index
          %get3A_522 = arith.index_cast %add3A_440 : i32 to index
          %get3A_523 = arith.index_cast %mul3A_519 : i32 to index
          %get3A_524 = tpu.vector_load %arg8[%get3A_521, %get3A_522, %get3A_523] {strides = array<i32>} : memref<4x8x1024xf32, #tpu.memory_space<vmem>>, vector<1x1x16xf32>,
          %get3A_525 = vector.shape_cast %get3A_524 : vector<1x1x16xf32> to vector<16xf32>
          %mul3A_526 = arith.constant 16 : i32
          %mul3A_527 = arith.muli %add3A_517, %mul3A_526 : i32
          %swap3A_528 = arith.constant 1 : i32
          %swap3A_529 = arith.index_cast %swap3A_528 : i32 to index
          %swap3A_530 = arith.index_cast %add3A_440 : i32 to index
          %swap3A_531 = arith.index_cast %mul3A_527 : i32 to index
          %swap3A_532 = tpu.vector_load %arg7[%swap3A_529, %swap3A_530, %swap3A_531] {strides = array<i32>} : memref<4x8x1024xf32, #tpu.memory_space<vmem>>, vector<1x1x16xf32>,
          %swap3A_533 = vector.shape_cast %swap3A_532 : vector<1x1x16xf32> to vector<16xf32>
          %swap3A_534 = vector.shape_cast %get3A_525 : vector<16xf32> to vector<1x1x16xf32>
          tpu.vector_store %arg7[%swap3A_529, %swap3A_530, %swap3A_531], %swap3A_534 {add = true, strides = array<i32>} : memref<4x8x1024xf32, #tpu.memory_space<vmem>>, vector<1x1x16xf32>,
          %scan3A_535 = arith.constant 4 : i32
          %scan3A_536 = arith.addi %scan3A_446, %scan3A_535 : i32
          %mul3A_537 = arith.constant 1 : i32
          %mul3A_538 = arith.muli %scan3A_536, %mul3A_537 : i32
          %add3A_539 = arith.constant 0 : i32
          %add3A_540 = arith.addi %add3A_539, %mul3A_538 : i32
          %mul3A_541 = arith.constant 16 : i32
          %mul3A_542 = arith.muli %add3A_540, %mul3A_541 : i32
          %get3A_543 = arith.constant 1 : i32
          %get3A_544 = arith.index_cast %get3A_543 : i32 to index
          %get3A_545 = arith.index_cast %add3A_440 : i32 to index
          %get3A_546 = arith.index_cast %mul3A_542 : i32 to index
          %get3A_547 = tpu.vector_load %arg8[%get3A_544, %get3A_545, %get3A_546] {strides = array<i32>} : memref<4x8x1024xf32, #tpu.memory_space<vmem>>, vector<1x1x16xf32>,
          %get3A_548 = vector.shape_cast %get3A_547 : vector<1x1x16xf32> to vector<16xf32>
          %mul3A_549 = arith.constant 16 : i32
          %mul3A_550 = arith.muli %add3A_540, %mul3A_549 : i32
          %swap3A_551 = arith.constant 1 : i32
          %swap3A_552 = arith.index_cast %swap3A_551 : i32 to index
          %swap3A_553 = arith.index_cast %add3A_440 : i32 to index
          %swap3A_554 = arith.index_cast %mul3A_550 : i32 to index
          %swap3A_555 = tpu.vector_load %arg7[%swap3A_552, %swap3A_553, %swap3A_554] {strides = array<i32>} : memref<4x8x1024xf32, #tpu.memory_space<vmem>>, vector<1x1x16xf32>,
          %swap3A_556 = vector.shape_cast %swap3A_555 : vector<1x1x16xf32> to vector<16xf32>
          %swap3A_557 = vector.shape_cast %get3A_548 : vector<16xf32> to vector<1x1x16xf32>
          tpu.vector_store %arg7[%swap3A_552, %swap3A_553, %swap3A_554], %swap3A_557 {add = true, strides = array<i32>} : memref<4x8x1024xf32, #tpu.memory_space<vmem>>, vector<1x1x16xf32>,
          %scan3A_558 = arith.constant 5 : i32
          %scan3A_559 = arith.addi %scan3A_446, %scan3A_558 : i32
          %mul3A_560 = arith.constant 1 : i32
          %mul3A_561 = arith.muli %scan3A_559, %mul3A_560 : i32
          %add3A_562 = arith.constant 0 : i32
          %add3A_563 = arith.addi %add3A_562, %mul3A_561 : i32
          %mul3A_564 = arith.constant 16 : i32
          %mul3A_565 = arith.muli %add3A_563, %mul3A_564 : i32
          %get3A_566 = arith.constant 1 : i32
          %get3A_567 = arith.index_cast %get3A_566 : i32 to index
          %get3A_568 = arith.index_cast %add3A_440 : i32 to index
          %get3A_569 = arith.index_cast %mul3A_565 : i32 to index
          %get3A_570 = tpu.vector_load %arg8[%get3A_567, %get3A_568, %get3A_569] {strides = array<i32>} : memref<4x8x1024xf32, #tpu.memory_space<vmem>>, vector<1x1x16xf32>,
          %get3A_571 = vector.shape_cast %get3A_570 : vector<1x1x16xf32> to vector<16xf32>
          %mul3A_572 = arith.constant 16 : i32
          %mul3A_573 = arith.muli %add3A_563, %mul3A_572 : i32
          %swap3A_574 = arith.constant 1 : i32
          %swap3A_575 = arith.index_cast %swap3A_574 : i32 to index
          %swap3A_576 = arith.index_cast %add3A_440 : i32 to index
          %swap3A_577 = arith.index_cast %mul3A_573 : i32 to index
          %swap3A_578 = tpu.vector_load %arg7[%swap3A_575, %swap3A_576, %swap3A_577] {strides = array<i32>} : memref<4x8x1024xf32, #tpu.memory_space<vmem>>, vector<1x1x16xf32>,
          %swap3A_579 = vector.shape_cast %swap3A_578 : vector<1x1x16xf32> to vector<16xf32>
          %swap3A_580 = vector.shape_cast %get3A_571 : vector<16xf32> to vector<1x1x16xf32>
          tpu.vector_store %arg7[%swap3A_575, %swap3A_576, %swap3A_577], %swap3A_580 {add = true, strides = array<i32>} : memref<4x8x1024xf32, #tpu.memory_space<vmem>>, vector<1x1x16xf32>,
          %scan3A_581 = arith.constant 6 : i32
          %scan3A_582 = arith.addi %scan3A_446, %scan3A_581 : i32
          %mul3A_583 = arith.constant 1 : i32
          %mul3A_584 = arith.muli %scan3A_582, %mul3A_583 : i32
          %add3A_585 = arith.constant 0 : i32
          %add3A_586 = arith.addi %add3A_585, %mul3A_584 : i32
          %mul3A_587 = arith.constant 16 : i32
          %mul3A_588 = arith.muli %add3A_586, %mul3A_587 : i32
          %get3A_589 = arith.constant 1 : i32
          %get3A_590 = arith.index_cast %get3A_589 : i32 to index
          %get3A_591 = arith.index_cast %add3A_440 : i32 to index
          %get3A_592 = arith.index_cast %mul3A_588 : i32 to index
          %get3A_593 = tpu.vector_load %arg8[%get3A_590, %get3A_591, %get3A_592] {strides = array<i32>} : memref<4x8x1024xf32, #tpu.memory_space<vmem>>, vector<1x1x16xf32>,
          %get3A_594 = vector.shape_cast %get3A_593 : vector<1x1x16xf32> to vector<16xf32>
          %mul3A_595 = arith.constant 16 : i32
          %mul3A_596 = arith.muli %add3A_586, %mul3A_595 : i32
          %swap3A_597 = arith.constant 1 : i32
          %swap3A_598 = arith.index_cast %swap3A_597 : i32 to index
          %swap3A_599 = arith.index_cast %add3A_440 : i32 to index
          %swap3A_600 = arith.index_cast %mul3A_596 : i32 to index
          %swap3A_601 = tpu.vector_load %arg7[%swap3A_598, %swap3A_599, %swap3A_600] {strides = array<i32>} : memref<4x8x1024xf32, #tpu.memory_space<vmem>>, vector<1x1x16xf32>,
          %swap3A_602 = vector.shape_cast %swap3A_601 : vector<1x1x16xf32> to vector<16xf32>
          %swap3A_603 = vector.shape_cast %get3A_594 : vector<16xf32> to vector<1x1x16xf32>
          tpu.vector_store %arg7[%swap3A_598, %swap3A_599, %swap3A_600], %swap3A_603 {add = true, strides = array<i32>} : memref<4x8x1024xf32, #tpu.memory_space<vmem>>, vector<1x1x16xf32>,
          %scan3A_604 = arith.constant 7 : i32
          %scan3A_605 = arith.addi %scan3A_446, %scan3A_604 : i32
          %mul3A_606 = arith.constant 1 : i32
          %mul3A_607 = arith.muli %scan3A_605, %mul3A_606 : i32
          %add3A_608 = arith.constant 0 : i32
          %add3A_609 = arith.addi %add3A_608, %mul3A_607 : i32
          %mul3A_610 = arith.constant 16 : i32
          %mul3A_611 = arith.muli %add3A_609, %mul3A_610 : i32
          %get3A_612 = arith.constant 1 : i32
          %get3A_613 = arith.index_cast %get3A_612 : i32 to index
          %get3A_614 = arith.index_cast %add3A_440 : i32 to index
          %get3A_615 = arith.index_cast %mul3A_611 : i32 to index
          %get3A_616 = tpu.vector_load %arg8[%get3A_613, %get3A_614, %get3A_615] {strides = array<i32>} : memref<4x8x1024xf32, #tpu.memory_space<vmem>>, vector<1x1x16xf32>,
          %get3A_617 = vector.shape_cast %get3A_616 : vector<1x1x16xf32> to vector<16xf32>
          %mul3A_618 = arith.constant 16 : i32
          %mul3A_619 = arith.muli %add3A_609, %mul3A_618 : i32
          %swap3A_620 = arith.constant 1 : i32
          %swap3A_621 = arith.index_cast %swap3A_620 : i32 to index
          %swap3A_622 = arith.index_cast %add3A_440 : i32 to index
          %swap3A_623 = arith.index_cast %mul3A_619 : i32 to index
          %swap3A_624 = tpu.vector_load %arg7[%swap3A_621, %swap3A_622, %swap3A_623] {strides = array<i32>} : memref<4x8x1024xf32, #tpu.memory_space<vmem>>, vector<1x1x16xf32>,
          %swap3A_625 = vector.shape_cast %swap3A_624 : vector<1x1x16xf32> to vector<16xf32>
          %swap3A_626 = vector.shape_cast %get3A_617 : vector<16xf32> to vector<1x1x16xf32>
          tpu.vector_store %arg7[%swap3A_621, %swap3A_622, %swap3A_623], %swap3A_626 {add = true, strides = array<i32>} : memref<4x8x1024xf32, #tpu.memory_space<vmem>>, vector<1x1x16xf32>,
        }
        %scan3A_445 = arith.constant 64 : i32
      }
      %scan3A_284 = arith.constant 8 : i32
      %mul3A_285 = arith.constant 8 : i32
      %mul3A_286 = arith.muli %add3A_239, %mul3A_285 : i32
      %add3A_287 = arith.addi %mul3A_2, %mul3A_286 : i32
      %dma_start3A_288 = arith.constant 1 : i32
      %dma_start3A_289 = arith.constant 1 : i32
      %dma_start3A_290 = arith.constant 0 : i32
      %dma_start3A_291 = arith.constant 0 : i32
      %dma_start3A_292 = tpu.memref_slice %arg7[%dma_start3A_288, %dma_start3A_290, %dma_start3A_291] : memref<4x8x1024xf32, #tpu.memory_space<vmem>> -> memref<1x8x1024xf32, #tpu.memory_space<vmem>>
      %dma_start3A_293 = tpu.memref_squeeze %dma_start3A_292 : memref<1x8x1024xf32, #tpu.memory_space<vmem>> -> memref<8x1024xf32, #tpu.memory_space<vmem>>
      %dma_start3A_294 = arith.constant 0 : i32
      %dma_start3A_295 = tpu.memref_slice %arg5[%add3A_287, %dma_start3A_294] : memref<32768x1024xf32, #tpu.memory_space<hbm>> -> memref<8x1024xf32, #tpu.memory_space<hbm>>
      %dma_start3A_296 = tpu.memref_slice %arg11[%dma_start3A_289] : memref<4x!tpu.dma_semaphore, #tpu.memory_space<semaphore_mem>> -> memref<1x!tpu.dma_semaphore, #tpu.memory_space<semaphore_mem>>
      %dma_start3A_297 = tpu.memref_squeeze %dma_start3A_296 : memref<1x!tpu.dma_semaphore, #tpu.memory_space<semaphore_mem>> -> memref<!tpu.dma_semaphore, #tpu.memory_space<semaphore_mem>>
      %dma_start3A_298 = arith.constant 0 : i32
      %dma_start3A_299 = tpu.memref_slice %arg5[%add3A_287, %dma_start3A_298] : memref<32768x1024xf32, #tpu.memory_space<hbm>> -> memref<8x1024xf32, #tpu.memory_space<hbm>>
      %dma_start3A_300 = arith.constant 0 : i32
      %dma_start3A_301 = arith.constant 0 : i32
      %dma_start3A_302 = tpu.memref_slice %arg7[%dma_start3A_288, %dma_start3A_300, %dma_start3A_301] : memref<4x8x1024xf32, #tpu.memory_space<vmem>> -> memref<1x8x1024xf32, #tpu.memory_space<vmem>>
      %dma_start3A_303 = tpu.memref_squeeze %dma_start3A_302 : memref<1x8x1024xf32, #tpu.memory_space<vmem>> -> memref<8x1024xf32, #tpu.memory_space<vmem>>
      tpu.enqueue_dma source(%dma_start3A_303 : memref<8x1024xf32, #tpu.memory_space<vmem>>) target(%dma_start3A_299 : memref<8x1024xf32, #tpu.memory_space<hbm>>) target_semaphore(%dma_start3A_297 : memref<!tpu.dma_semaphore, #tpu.memory_space<semaphore_mem>>)
      %add3A_304 = arith.constant 2 : i32
      %add3A_305 = arith.addi %add3A_174, %add3A_304 : i32
      %add3A_306 = arith.constant 3 : i32
      %add3A_307 = arith.addi %add3A_305, %add3A_306 : i32
      %lt3A_308 = arith.constant 128 : i32
      %lt3A_309 = arith.cmpi slt, %add3A_307, %lt3A_308 : i32
      %convert_element_type3A_310 = arith.extui %lt3A_309 : i1 to i32
      %cond3A_311 = arith.constant 0 : i32
      %cond3A_312 = arith.cmpi ne, %convert_element_type3A_310, %cond3A_311 : i32
      scf.if %cond3A_312 {
        %ge3A = arith.constant 1 : i32
        %ge3A_436 = arith.cmpi sge, %add3A_305, %ge3A : i32
        %convert_element_type3A_437 = arith.extui %ge3A_436 : i1 to i32
        %cond3A_438 = arith.constant 0 : i32
        %cond3A_439 = arith.cmpi ne, %convert_element_type3A_437, %cond3A_438 : i32
        scf.if %cond3A_439 {
          %sub3A = arith.constant 1 : i32
          %sub3A_473 = arith.subi %add3A_305, %sub3A : i32
          %mul3A_474 = arith.constant 8 : i32
          %mul3A_475 = arith.muli %sub3A_473, %mul3A_474 : i32
          %add3A_476 = arith.addi %mul3A_2, %mul3A_475 : i32
          %dma_wait3A_477 = arith.constant 1 : i32
          %dma_wait3A_478 = arith.constant 1 : i32
          %dma_wait3A_479 = arith.constant 0 : i32
          %dma_wait3A_480 = arith.constant 0 : i32
          %dma_wait3A_481 = tpu.memref_slice %arg7[%dma_wait3A_477, %dma_wait3A_479, %dma_wait3A_480] : memref<4x8x1024xf32, #tpu.memory_space<vmem>> -> memref<1x8x1024xf32, #tpu.memory_space<vmem>>
          %dma_wait3A_482 = tpu.memref_squeeze %dma_wait3A_481 : memref<1x8x1024xf32, #tpu.memory_space<vmem>> -> memref<8x1024xf32, #tpu.memory_space<vmem>>
          %dma_wait3A_483 = arith.constant 0 : i32
          %dma_wait3A_484 = tpu.memref_slice %arg5[%add3A_476, %dma_wait3A_483] : memref<32768x1024xf32, #tpu.memory_space<hbm>> -> memref<8x1024xf32, #tpu.memory_space<hbm>>
          %dma_wait3A_485 = tpu.memref_slice %arg11[%dma_wait3A_478] : memref<4x!tpu.dma_semaphore, #tpu.memory_space<semaphore_mem>> -> memref<1x!tpu.dma_semaphore, #tpu.memory_space<semaphore_mem>>
          %dma_wait3A_486 = tpu.memref_squeeze %dma_wait3A_485 : memref<1x!tpu.dma_semaphore, #tpu.memory_space<semaphore_mem>> -> memref<!tpu.dma_semaphore, #tpu.memory_space<semaphore_mem>>
          %dma_wait3A_487 = arith.constant 0 : i32
          %dma_wait3A_488 = tpu.memref_slice %arg5[%add3A_476, %dma_wait3A_487] : memref<32768x1024xf32, #tpu.memory_space<hbm>> -> memref<8x1024xf32, #tpu.memory_space<hbm>>
          %dma_wait3A_489 = arith.constant 0 : i32
          %dma_wait3A_490 = arith.constant 0 : i32
          %dma_wait3A_491 = tpu.memref_slice %arg7[%dma_wait3A_477, %dma_wait3A_489, %dma_wait3A_490] : memref<4x8x1024xf32, #tpu.memory_space<vmem>> -> memref<1x8x1024xf32, #tpu.memory_space<vmem>>
          %dma_wait3A_492 = tpu.memref_squeeze %dma_wait3A_491 : memref<1x8x1024xf32, #tpu.memory_space<vmem>> -> memref<8x1024xf32, #tpu.memory_space<vmem>>
          tpu.wait_dma2 semaphore(%dma_wait3A_486 : memref<!tpu.dma_semaphore, #tpu.memory_space<semaphore_mem>>) src(%dma_wait3A_492 : memref<8x1024xf32, #tpu.memory_space<vmem>>) dst(%dma_wait3A_488 : memref<8x1024xf32, #tpu.memory_space<hbm>>)
        } else {
        }
        %mul3A_440 = arith.constant 8 : i32
        %mul3A_441 = arith.muli %add3A_307, %mul3A_440 : i32
        %dma_start3A_442 = arith.constant 1 : i32
        %dma_start3A_443 = arith.constant 1 : i32
        %dma_start3A_444 = arith.constant 0 : i32
        %dma_start3A_445 = arith.constant 0 : i32
        %dma_start3A_446 = tpu.memref_slice %arg7[%dma_start3A_442, %dma_start3A_444, %dma_start3A_445] : memref<4x8x1024xf32, #tpu.memory_space<vmem>> -> memref<1x8x1024xf32, #tpu.memory_space<vmem>>
        %dma_start3A_447 = tpu.memref_squeeze %dma_start3A_446 : memref<1x8x1024xf32, #tpu.memory_space<vmem>> -> memref<8x1024xf32, #tpu.memory_space<vmem>>
        %dma_start3A_448 = tpu.memref_slice %arg6[%mul3A_441] : memref<1024xi32, #tpu.memory_space<vmem>> -> memref<8xi32, #tpu.memory_space<vmem>>
        %dma_start3A_449 = arith.constant 0 : i32
        %dma_start3A_450 = arith.constant 0 : i32
        %dma_start3A_451 = tpu.memref_slice %arg4[%dma_start3A_449, %dma_start3A_450] : memref<8192x1024xf32, #tpu.memory_space<hbm>> -> memref<8192x1024xf32, #tpu.memory_space<hbm>>
        %dma_start3A_452 = tpu.memref_slice %arg9[%dma_start3A_443] : memref<4x!tpu.dma_semaphore, #tpu.memory_space<semaphore_mem>> -> memref<1x!tpu.dma_semaphore, #tpu.memory_space<semaphore_mem>>
        %dma_start3A_453 = tpu.memref_squeeze %dma_start3A_452 : memref<1x!tpu.dma_semaphore, #tpu.memory_space<semaphore_mem>> -> memref<!tpu.dma_semaphore, #tpu.memory_space<semaphore_mem>>
        tpu.enqueue_indirect_dma source(%dma_start3A_451 : memref<8192x1024xf32, #tpu.memory_space<hbm>>) target(%dma_start3A_447 : memref<8x1024xf32, #tpu.memory_space<vmem>>) offsets(%dma_start3A_448 : memref<8xi32, #tpu.memory_space<vmem>>) semaphore(%dma_start3A_453 : memref<!tpu.dma_semaphore, #tpu.memory_space<semaphore_mem>>)
        %mul3A_454 = arith.constant 8 : i32
        %mul3A_455 = arith.muli %add3A_307, %mul3A_454 : i32
        %add3A_456 = arith.addi %mul3A_2, %mul3A_455 : i32
        %dma_start3A_457 = arith.constant 1 : i32
        %dma_start3A_458 = arith.constant 1 : i32
        %dma_start3A_459 = arith.constant 0 : i32
        %dma_start3A_460 = arith.constant 0 : i32
        %dma_start3A_461 = tpu.memref_slice %arg8[%dma_start3A_457, %dma_start3A_459, %dma_start3A_460] : memref<4x8x1024xf32, #tpu.memory_space<vmem>> -> memref<1x8x1024xf32, #tpu.memory_space<vmem>>
        %dma_start3A_462 = tpu.memref_squeeze %dma_start3A_461 : memref<1x8x1024xf32, #tpu.memory_space<vmem>> -> memref<8x1024xf32, #tpu.memory_space<vmem>>
        %dma_start3A_463 = arith.constant 0 : i32
        %dma_start3A_464 = tpu.memref_slice %arg2[%add3A_456, %dma_start3A_463] : memref<32768x1024xf32, #tpu.memory_space<hbm>> -> memref<8x1024xf32, #tpu.memory_space<hbm>>
        %dma_start3A_465 = tpu.memref_slice %arg10[%dma_start3A_458] : memref<4x!tpu.dma_semaphore, #tpu.memory_space<semaphore_mem>> -> memref<1x!tpu.dma_semaphore, #tpu.memory_space<semaphore_mem>>
        %dma_start3A_466 = tpu.memref_squeeze %dma_start3A_465 : memref<1x!tpu.dma_semaphore, #tpu.memory_space<semaphore_mem>> -> memref<!tpu.dma_semaphore, #tpu.memory_space<semaphore_mem>>
        %dma_start3A_467 = arith.constant 0 : i32
        %dma_start3A_468 = arith.constant 0 : i32
        %dma_start3A_469 = tpu.memref_slice %arg8[%dma_start3A_457, %dma_start3A_467, %dma_start3A_468] : memref<4x8x1024xf32, #tpu.memory_space<vmem>> -> memref<1x8x1024xf32, #tpu.memory_space<vmem>>
        %dma_start3A_470 = tpu.memref_squeeze %dma_start3A_469 : memref<1x8x1024xf32, #tpu.memory_space<vmem>> -> memref<8x1024xf32, #tpu.memory_space<vmem>>
        %dma_start3A_471 = arith.constant 0 : i32
        %dma_start3A_472 = tpu.memref_slice %arg2[%add3A_456, %dma_start3A_471] : memref<32768x1024xf32, #tpu.memory_space<hbm>> -> memref<8x1024xf32, #tpu.memory_space<hbm>>
        tpu.enqueue_dma source(%dma_start3A_472 : memref<8x1024xf32, #tpu.memory_space<hbm>>) target(%dma_start3A_470 : memref<8x1024xf32, #tpu.memory_space<vmem>>) target_semaphore(%dma_start3A_466 : memref<!tpu.dma_semaphore, #tpu.memory_space<semaphore_mem>>)
      } else {
      }
      %mul3A_313 = arith.constant 8 : i32
      %mul3A_314 = arith.muli %add3A_305, %mul3A_313 : i32
      %dma_wait3A_315 = arith.constant 2 : i32
      %dma_wait3A_316 = arith.constant 2 : i32
      %dma_wait3A_317 = arith.constant 0 : i32
      %dma_wait3A_318 = arith.constant 0 : i32
      %dma_wait3A_319 = tpu.memref_slice %arg7[%dma_wait3A_315, %dma_wait3A_317, %dma_wait3A_318] : memref<4x8x1024xf32, #tpu.memory_space<vmem>> -> memref<1x8x1024xf32, #tpu.memory_space<vmem>>
      %dma_wait3A_320 = tpu.memref_squeeze %dma_wait3A_319 : memref<1x8x1024xf32, #tpu.memory_space<vmem>> -> memref<8x1024xf32, #tpu.memory_space<vmem>>
      %dma_wait3A_321 = tpu.memref_slice %arg6[%mul3A_314] : memref<1024xi32, #tpu.memory_space<vmem>> -> memref<8xi32, #tpu.memory_space<vmem>>
      %dma_wait3A_322 = arith.constant 0 : i32
      %dma_wait3A_323 = arith.constant 0 : i32
      %dma_wait3A_324 = tpu.memref_slice %arg4[%dma_wait3A_322, %dma_wait3A_323] : memref<8192x1024xf32, #tpu.memory_space<hbm>> -> memref<8192x1024xf32, #tpu.memory_space<hbm>>
      %dma_wait3A_325 = tpu.memref_slice %arg9[%dma_wait3A_316] : memref<4x!tpu.dma_semaphore, #tpu.memory_space<semaphore_mem>> -> memref<1x!tpu.dma_semaphore, #tpu.memory_space<semaphore_mem>>
      %dma_wait3A_326 = tpu.memref_squeeze %dma_wait3A_325 : memref<1x!tpu.dma_semaphore, #tpu.memory_space<semaphore_mem>> -> memref<!tpu.dma_semaphore, #tpu.memory_space<semaphore_mem>>
      tpu.wait_indirect_dma semaphore(%dma_wait3A_326 : memref<!tpu.dma_semaphore, #tpu.memory_space<semaphore_mem>>) src(%dma_wait3A_324 : memref<8192x1024xf32, #tpu.memory_space<hbm>>) dst(%dma_wait3A_320 : memref<8x1024xf32, #tpu.memory_space<vmem>>)
      %mul3A_327 = arith.constant 8 : i32
      %mul3A_328 = arith.muli %add3A_305, %mul3A_327 : i32
      %add3A_329 = arith.addi %mul3A_2, %mul3A_328 : i32
      %dma_wait3A_330 = arith.constant 2 : i32
      %dma_wait3A_331 = arith.constant 2 : i32
      %dma_wait3A_332 = arith.constant 0 : i32
      %dma_wait3A_333 = arith.constant 0 : i32
      %dma_wait3A_334 = tpu.memref_slice %arg8[%dma_wait3A_330, %dma_wait3A_332, %dma_wait3A_333] : memref<4x8x1024xf32, #tpu.memory_space<vmem>> -> memref<1x8x1024xf32, #tpu.memory_space<vmem>>
      %dma_wait3A_335 = tpu.memref_squeeze %dma_wait3A_334 : memref<1x8x1024xf32, #tpu.memory_space<vmem>> -> memref<8x1024xf32, #tpu.memory_space<vmem>>
      %dma_wait3A_336 = arith.constant 0 : i32
      %dma_wait3A_337 = tpu.memref_slice %arg2[%add3A_329, %dma_wait3A_336] : memref<32768x1024xf32, #tpu.memory_space<hbm>> -> memref<8x1024xf32, #tpu.memory_space<hbm>>
      %dma_wait3A_338 = tpu.memref_slice %arg10[%dma_wait3A_331] : memref<4x!tpu.dma_semaphore, #tpu.memory_space<semaphore_mem>> -> memref<1x!tpu.dma_semaphore, #tpu.memory_space<semaphore_mem>>
      %dma_wait3A_339 = tpu.memref_squeeze %dma_wait3A_338 : memref<1x!tpu.dma_semaphore, #tpu.memory_space<semaphore_mem>> -> memref<!tpu.dma_semaphore, #tpu.memory_space<semaphore_mem>>
      %dma_wait3A_340 = arith.constant 0 : i32
      %dma_wait3A_341 = arith.constant 0 : i32
      %dma_wait3A_342 = tpu.memref_slice %arg8[%dma_wait3A_330, %dma_wait3A_340, %dma_wait3A_341] : memref<4x8x1024xf32, #tpu.memory_space<vmem>> -> memref<1x8x1024xf32, #tpu.memory_space<vmem>>
      %dma_wait3A_343 = tpu.memref_squeeze %dma_wait3A_342 : memref<1x8x1024xf32, #tpu.memory_space<vmem>> -> memref<8x1024xf32, #tpu.memory_space<vmem>>
      %dma_wait3A_344 = arith.constant 0 : i32
      %dma_wait3A_345 = tpu.memref_slice %arg2[%add3A_329, %dma_wait3A_344] : memref<32768x1024xf32, #tpu.memory_space<hbm>> -> memref<8x1024xf32, #tpu.memory_space<hbm>>
      tpu.wait_dma2 semaphore(%dma_wait3A_339 : memref<!tpu.dma_semaphore, #tpu.memory_space<semaphore_mem>>) src(%dma_wait3A_345 : memref<8x1024xf32, #tpu.memory_space<hbm>>) dst(%dma_wait3A_343 : memref<8x1024xf32, #tpu.memory_space<vmem>>)
      %scan3A_346 = arith.constant 0 : i32
      %scan3A_347 = arith.constant 8 : i32
      %scan3A_348 = arith.addi %scan3A_346, %scan3A_347 : i32
      %scan3A_349 = arith.constant 1 : i32
      scf.for %scan3A_436 = %scan3A_346 to %scan3A_348 step %scan3A_349  : i32 {
        %mul3A_437 = arith.constant 1 : i32
        %mul3A_438 = arith.muli %scan3A_436, %mul3A_437 : i32
        %add3A_439 = arith.constant 0 : i32
        %add3A_440 = arith.addi %add3A_439, %mul3A_438 : i32
        %scan3A_441 = arith.constant 0 : i32
        %scan3A_442 = arith.constant 64 : i32
        %scan3A_443 = arith.addi %scan3A_441, %scan3A_442 : i32
        %scan3A_444 = arith.constant 8 : i32
        scf.for %scan3A_446 = %scan3A_441 to %scan3A_443 step %scan3A_444  : i32 {
          %mul3A_447 = arith.constant 1 : i32
          %mul3A_448 = arith.muli %scan3A_446, %mul3A_447 : i32
          %add3A_449 = arith.constant 0 : i32
          %add3A_450 = arith.addi %add3A_449, %mul3A_448 : i32
          %mul3A_451 = arith.constant 16 : i32
          %mul3A_452 = arith.muli %add3A_450, %mul3A_451 : i32
          %get3A = arith.constant 2 : i32
          %get3A_453 = arith.index_cast %get3A : i32 to index
          %get3A_454 = arith.index_cast %add3A_440 : i32 to index
          %get3A_455 = arith.index_cast %mul3A_452 : i32 to index
          %get3A_456 = tpu.vector_load %arg8[%get3A_453, %get3A_454, %get3A_455] {strides = array<i32>} : memref<4x8x1024xf32, #tpu.memory_space<vmem>>, vector<1x1x16xf32>,
          %get3A_457 = vector.shape_cast %get3A_456 : vector<1x1x16xf32> to vector<16xf32>
          %mul3A_458 = arith.constant 16 : i32
          %mul3A_459 = arith.muli %add3A_450, %mul3A_458 : i32
          %swap3A = arith.constant 2 : i32
          %swap3A_460 = arith.index_cast %swap3A : i32 to index
          %swap3A_461 = arith.index_cast %add3A_440 : i32 to index
          %swap3A_462 = arith.index_cast %mul3A_459 : i32 to index
          %swap3A_463 = tpu.vector_load %arg7[%swap3A_460, %swap3A_461, %swap3A_462] {strides = array<i32>} : memref<4x8x1024xf32, #tpu.memory_space<vmem>>, vector<1x1x16xf32>,
          %swap3A_464 = vector.shape_cast %swap3A_463 : vector<1x1x16xf32> to vector<16xf32>
          %swap3A_465 = vector.shape_cast %get3A_457 : vector<16xf32> to vector<1x1x16xf32>
          tpu.vector_store %arg7[%swap3A_460, %swap3A_461, %swap3A_462], %swap3A_465 {add = true, strides = array<i32>} : memref<4x8x1024xf32, #tpu.memory_space<vmem>>, vector<1x1x16xf32>,
          %scan3A_466 = arith.constant 1 : i32
          %scan3A_467 = arith.addi %scan3A_446, %scan3A_466 : i32
          %mul3A_468 = arith.constant 1 : i32
          %mul3A_469 = arith.muli %scan3A_467, %mul3A_468 : i32
          %add3A_470 = arith.constant 0 : i32
          %add3A_471 = arith.addi %add3A_470, %mul3A_469 : i32
          %mul3A_472 = arith.constant 16 : i32
          %mul3A_473 = arith.muli %add3A_471, %mul3A_472 : i32
          %get3A_474 = arith.constant 2 : i32
          %get3A_475 = arith.index_cast %get3A_474 : i32 to index
          %get3A_476 = arith.index_cast %add3A_440 : i32 to index
          %get3A_477 = arith.index_cast %mul3A_473 : i32 to index
          %get3A_478 = tpu.vector_load %arg8[%get3A_475, %get3A_476, %get3A_477] {strides = array<i32>} : memref<4x8x1024xf32, #tpu.memory_space<vmem>>, vector<1x1x16xf32>,
          %get3A_479 = vector.shape_cast %get3A_478 : vector<1x1x16xf32> to vector<16xf32>
          %mul3A_480 = arith.constant 16 : i32
          %mul3A_481 = arith.muli %add3A_471, %mul3A_480 : i32
          %swap3A_482 = arith.constant 2 : i32
          %swap3A_483 = arith.index_cast %swap3A_482 : i32 to index
          %swap3A_484 = arith.index_cast %add3A_440 : i32 to index
          %swap3A_485 = arith.index_cast %mul3A_481 : i32 to index
          %swap3A_486 = tpu.vector_load %arg7[%swap3A_483, %swap3A_484, %swap3A_485] {strides = array<i32>} : memref<4x8x1024xf32, #tpu.memory_space<vmem>>, vector<1x1x16xf32>,
          %swap3A_487 = vector.shape_cast %swap3A_486 : vector<1x1x16xf32> to vector<16xf32>
          %swap3A_488 = vector.shape_cast %get3A_479 : vector<16xf32> to vector<1x1x16xf32>
          tpu.vector_store %arg7[%swap3A_483, %swap3A_484, %swap3A_485], %swap3A_488 {add = true, strides = array<i32>} : memref<4x8x1024xf32, #tpu.memory_space<vmem>>, vector<1x1x16xf32>,
          %scan3A_489 = arith.constant 2 : i32
          %scan3A_490 = arith.addi %scan3A_446, %scan3A_489 : i32
          %mul3A_491 = arith.constant 1 : i32
          %mul3A_492 = arith.muli %scan3A_490, %mul3A_491 : i32
          %add3A_493 = arith.constant 0 : i32
          %add3A_494 = arith.addi %add3A_493, %mul3A_492 : i32
          %mul3A_495 = arith.constant 16 : i32
          %mul3A_496 = arith.muli %add3A_494, %mul3A_495 : i32
          %get3A_497 = arith.constant 2 : i32
          %get3A_498 = arith.index_cast %get3A_497 : i32 to index
          %get3A_499 = arith.index_cast %add3A_440 : i32 to index
          %get3A_500 = arith.index_cast %mul3A_496 : i32 to index
          %get3A_501 = tpu.vector_load %arg8[%get3A_498, %get3A_499, %get3A_500] {strides = array<i32>} : memref<4x8x1024xf32, #tpu.memory_space<vmem>>, vector<1x1x16xf32>,
          %get3A_502 = vector.shape_cast %get3A_501 : vector<1x1x16xf32> to vector<16xf32>
          %mul3A_503 = arith.constant 16 : i32
          %mul3A_504 = arith.muli %add3A_494, %mul3A_503 : i32
          %swap3A_505 = arith.constant 2 : i32
          %swap3A_506 = arith.index_cast %swap3A_505 : i32 to index
          %swap3A_507 = arith.index_cast %add3A_440 : i32 to index
          %swap3A_508 = arith.index_cast %mul3A_504 : i32 to index
          %swap3A_509 = tpu.vector_load %arg7[%swap3A_506, %swap3A_507, %swap3A_508] {strides = array<i32>} : memref<4x8x1024xf32, #tpu.memory_space<vmem>>, vector<1x1x16xf32>,
          %swap3A_510 = vector.shape_cast %swap3A_509 : vector<1x1x16xf32> to vector<16xf32>
          %swap3A_511 = vector.shape_cast %get3A_502 : vector<16xf32> to vector<1x1x16xf32>
          tpu.vector_store %arg7[%swap3A_506, %swap3A_507, %swap3A_508], %swap3A_511 {add = true, strides = array<i32>} : memref<4x8x1024xf32, #tpu.memory_space<vmem>>, vector<1x1x16xf32>,
          %scan3A_512 = arith.constant 3 : i32
          %scan3A_513 = arith.addi %scan3A_446, %scan3A_512 : i32
          %mul3A_514 = arith.constant 1 : i32
          %mul3A_515 = arith.muli %scan3A_513, %mul3A_514 : i32
          %add3A_516 = arith.constant 0 : i32
          %add3A_517 = arith.addi %add3A_516, %mul3A_515 : i32
          %mul3A_518 = arith.constant 16 : i32
          %mul3A_519 = arith.muli %add3A_517, %mul3A_518 : i32
          %get3A_520 = arith.constant 2 : i32
          %get3A_521 = arith.index_cast %get3A_520 : i32 to index
          %get3A_522 = arith.index_cast %add3A_440 : i32 to index
          %get3A_523 = arith.index_cast %mul3A_519 : i32 to index
          %get3A_524 = tpu.vector_load %arg8[%get3A_521, %get3A_522, %get3A_523] {strides = array<i32>} : memref<4x8x1024xf32, #tpu.memory_space<vmem>>, vector<1x1x16xf32>,
          %get3A_525 = vector.shape_cast %get3A_524 : vector<1x1x16xf32> to vector<16xf32>
          %mul3A_526 = arith.constant 16 : i32
          %mul3A_527 = arith.muli %add3A_517, %mul3A_526 : i32
          %swap3A_528 = arith.constant 2 : i32
          %swap3A_529 = arith.index_cast %swap3A_528 : i32 to index
          %swap3A_530 = arith.index_cast %add3A_440 : i32 to index
          %swap3A_531 = arith.index_cast %mul3A_527 : i32 to index
          %swap3A_532 = tpu.vector_load %arg7[%swap3A_529, %swap3A_530, %swap3A_531] {strides = array<i32>} : memref<4x8x1024xf32, #tpu.memory_space<vmem>>, vector<1x1x16xf32>,
          %swap3A_533 = vector.shape_cast %swap3A_532 : vector<1x1x16xf32> to vector<16xf32>
          %swap3A_534 = vector.shape_cast %get3A_525 : vector<16xf32> to vector<1x1x16xf32>
          tpu.vector_store %arg7[%swap3A_529, %swap3A_530, %swap3A_531], %swap3A_534 {add = true, strides = array<i32>} : memref<4x8x1024xf32, #tpu.memory_space<vmem>>, vector<1x1x16xf32>,
          %scan3A_535 = arith.constant 4 : i32
          %scan3A_536 = arith.addi %scan3A_446, %scan3A_535 : i32
          %mul3A_537 = arith.constant 1 : i32
          %mul3A_538 = arith.muli %scan3A_536, %mul3A_537 : i32
          %add3A_539 = arith.constant 0 : i32
          %add3A_540 = arith.addi %add3A_539, %mul3A_538 : i32
          %mul3A_541 = arith.constant 16 : i32
          %mul3A_542 = arith.muli %add3A_540, %mul3A_541 : i32
          %get3A_543 = arith.constant 2 : i32
          %get3A_544 = arith.index_cast %get3A_543 : i32 to index
          %get3A_545 = arith.index_cast %add3A_440 : i32 to index
          %get3A_546 = arith.index_cast %mul3A_542 : i32 to index
          %get3A_547 = tpu.vector_load %arg8[%get3A_544, %get3A_545, %get3A_546] {strides = array<i32>} : memref<4x8x1024xf32, #tpu.memory_space<vmem>>, vector<1x1x16xf32>,
          %get3A_548 = vector.shape_cast %get3A_547 : vector<1x1x16xf32> to vector<16xf32>
          %mul3A_549 = arith.constant 16 : i32
          %mul3A_550 = arith.muli %add3A_540, %mul3A_549 : i32
          %swap3A_551 = arith.constant 2 : i32
          %swap3A_552 = arith.index_cast %swap3A_551 : i32 to index
          %swap3A_553 = arith.index_cast %add3A_440 : i32 to index
          %swap3A_554 = arith.index_cast %mul3A_550 : i32 to index
          %swap3A_555 = tpu.vector_load %arg7[%swap3A_552, %swap3A_553, %swap3A_554] {strides = array<i32>} : memref<4x8x1024xf32, #tpu.memory_space<vmem>>, vector<1x1x16xf32>,
          %swap3A_556 = vector.shape_cast %swap3A_555 : vector<1x1x16xf32> to vector<16xf32>
          %swap3A_557 = vector.shape_cast %get3A_548 : vector<16xf32> to vector<1x1x16xf32>
          tpu.vector_store %arg7[%swap3A_552, %swap3A_553, %swap3A_554], %swap3A_557 {add = true, strides = array<i32>} : memref<4x8x1024xf32, #tpu.memory_space<vmem>>, vector<1x1x16xf32>,
          %scan3A_558 = arith.constant 5 : i32
          %scan3A_559 = arith.addi %scan3A_446, %scan3A_558 : i32
          %mul3A_560 = arith.constant 1 : i32
          %mul3A_561 = arith.muli %scan3A_559, %mul3A_560 : i32
          %add3A_562 = arith.constant 0 : i32
          %add3A_563 = arith.addi %add3A_562, %mul3A_561 : i32
          %mul3A_564 = arith.constant 16 : i32
          %mul3A_565 = arith.muli %add3A_563, %mul3A_564 : i32
          %get3A_566 = arith.constant 2 : i32
          %get3A_567 = arith.index_cast %get3A_566 : i32 to index
          %get3A_568 = arith.index_cast %add3A_440 : i32 to index
          %get3A_569 = arith.index_cast %mul3A_565 : i32 to index
          %get3A_570 = tpu.vector_load %arg8[%get3A_567, %get3A_568, %get3A_569] {strides = array<i32>} : memref<4x8x1024xf32, #tpu.memory_space<vmem>>, vector<1x1x16xf32>,
          %get3A_571 = vector.shape_cast %get3A_570 : vector<1x1x16xf32> to vector<16xf32>
          %mul3A_572 = arith.constant 16 : i32
          %mul3A_573 = arith.muli %add3A_563, %mul3A_572 : i32
          %swap3A_574 = arith.constant 2 : i32
          %swap3A_575 = arith.index_cast %swap3A_574 : i32 to index
          %swap3A_576 = arith.index_cast %add3A_440 : i32 to index
          %swap3A_577 = arith.index_cast %mul3A_573 : i32 to index
          %swap3A_578 = tpu.vector_load %arg7[%swap3A_575, %swap3A_576, %swap3A_577] {strides = array<i32>} : memref<4x8x1024xf32, #tpu.memory_space<vmem>>, vector<1x1x16xf32>,
          %swap3A_579 = vector.shape_cast %swap3A_578 : vector<1x1x16xf32> to vector<16xf32>
          %swap3A_580 = vector.shape_cast %get3A_571 : vector<16xf32> to vector<1x1x16xf32>
          tpu.vector_store %arg7[%swap3A_575, %swap3A_576, %swap3A_577], %swap3A_580 {add = true, strides = array<i32>} : memref<4x8x1024xf32, #tpu.memory_space<vmem>>, vector<1x1x16xf32>,
          %scan3A_581 = arith.constant 6 : i32
          %scan3A_582 = arith.addi %scan3A_446, %scan3A_581 : i32
          %mul3A_583 = arith.constant 1 : i32
          %mul3A_584 = arith.muli %scan3A_582, %mul3A_583 : i32
          %add3A_585 = arith.constant 0 : i32
          %add3A_586 = arith.addi %add3A_585, %mul3A_584 : i32
          %mul3A_587 = arith.constant 16 : i32
          %mul3A_588 = arith.muli %add3A_586, %mul3A_587 : i32
          %get3A_589 = arith.constant 2 : i32
          %get3A_590 = arith.index_cast %get3A_589 : i32 to index
          %get3A_591 = arith.index_cast %add3A_440 : i32 to index
          %get3A_592 = arith.index_cast %mul3A_588 : i32 to index
          %get3A_593 = tpu.vector_load %arg8[%get3A_590, %get3A_591, %get3A_592] {strides = array<i32>} : memref<4x8x1024xf32, #tpu.memory_space<vmem>>, vector<1x1x16xf32>,
          %get3A_594 = vector.shape_cast %get3A_593 : vector<1x1x16xf32> to vector<16xf32>
          %mul3A_595 = arith.constant 16 : i32
          %mul3A_596 = arith.muli %add3A_586, %mul3A_595 : i32
          %swap3A_597 = arith.constant 2 : i32
          %swap3A_598 = arith.index_cast %swap3A_597 : i32 to index
          %swap3A_599 = arith.index_cast %add3A_440 : i32 to index
          %swap3A_600 = arith.index_cast %mul3A_596 : i32 to index
          %swap3A_601 = tpu.vector_load %arg7[%swap3A_598, %swap3A_599, %swap3A_600] {strides = array<i32>} : memref<4x8x1024xf32, #tpu.memory_space<vmem>>, vector<1x1x16xf32>,
          %swap3A_602 = vector.shape_cast %swap3A_601 : vector<1x1x16xf32> to vector<16xf32>
          %swap3A_603 = vector.shape_cast %get3A_594 : vector<16xf32> to vector<1x1x16xf32>
          tpu.vector_store %arg7[%swap3A_598, %swap3A_599, %swap3A_600], %swap3A_603 {add = true, strides = array<i32>} : memref<4x8x1024xf32, #tpu.memory_space<vmem>>, vector<1x1x16xf32>,
          %scan3A_604 = arith.constant 7 : i32
          %scan3A_605 = arith.addi %scan3A_446, %scan3A_604 : i32
          %mul3A_606 = arith.constant 1 : i32
          %mul3A_607 = arith.muli %scan3A_605, %mul3A_606 : i32
          %add3A_608 = arith.constant 0 : i32
          %add3A_609 = arith.addi %add3A_608, %mul3A_607 : i32
          %mul3A_610 = arith.constant 16 : i32
          %mul3A_611 = arith.muli %add3A_609, %mul3A_610 : i32
          %get3A_612 = arith.constant 2 : i32
          %get3A_613 = arith.index_cast %get3A_612 : i32 to index
          %get3A_614 = arith.index_cast %add3A_440 : i32 to index
          %get3A_615 = arith.index_cast %mul3A_611 : i32 to index
          %get3A_616 = tpu.vector_load %arg8[%get3A_613, %get3A_614, %get3A_615] {strides = array<i32>} : memref<4x8x1024xf32, #tpu.memory_space<vmem>>, vector<1x1x16xf32>,
          %get3A_617 = vector.shape_cast %get3A_616 : vector<1x1x16xf32> to vector<16xf32>
          %mul3A_618 = arith.constant 16 : i32
          %mul3A_619 = arith.muli %add3A_609, %mul3A_618 : i32
          %swap3A_620 = arith.constant 2 : i32
          %swap3A_621 = arith.index_cast %swap3A_620 : i32 to index
          %swap3A_622 = arith.index_cast %add3A_440 : i32 to index
          %swap3A_623 = arith.index_cast %mul3A_619 : i32 to index
          %swap3A_624 = tpu.vector_load %arg7[%swap3A_621, %swap3A_622, %swap3A_623] {strides = array<i32>} : memref<4x8x1024xf32, #tpu.memory_space<vmem>>, vector<1x1x16xf32>,
          %swap3A_625 = vector.shape_cast %swap3A_624 : vector<1x1x16xf32> to vector<16xf32>
          %swap3A_626 = vector.shape_cast %get3A_617 : vector<16xf32> to vector<1x1x16xf32>
          tpu.vector_store %arg7[%swap3A_621, %swap3A_622, %swap3A_623], %swap3A_626 {add = true, strides = array<i32>} : memref<4x8x1024xf32, #tpu.memory_space<vmem>>, vector<1x1x16xf32>,
        }
        %scan3A_445 = arith.constant 64 : i32
      }
      %scan3A_350 = arith.constant 8 : i32
      %mul3A_351 = arith.constant 8 : i32
      %mul3A_352 = arith.muli %add3A_305, %mul3A_351 : i32
      %add3A_353 = arith.addi %mul3A_2, %mul3A_352 : i32
      %dma_start3A_354 = arith.constant 2 : i32
      %dma_start3A_355 = arith.constant 2 : i32
      %dma_start3A_356 = arith.constant 0 : i32
      %dma_start3A_357 = arith.constant 0 : i32
      %dma_start3A_358 = tpu.memref_slice %arg7[%dma_start3A_354, %dma_start3A_356, %dma_start3A_357] : memref<4x8x1024xf32, #tpu.memory_space<vmem>> -> memref<1x8x1024xf32, #tpu.memory_space<vmem>>
      %dma_start3A_359 = tpu.memref_squeeze %dma_start3A_358 : memref<1x8x1024xf32, #tpu.memory_space<vmem>> -> memref<8x1024xf32, #tpu.memory_space<vmem>>
      %dma_start3A_360 = arith.constant 0 : i32
      %dma_start3A_361 = tpu.memref_slice %arg5[%add3A_353, %dma_start3A_360] : memref<32768x1024xf32, #tpu.memory_space<hbm>> -> memref<8x1024xf32, #tpu.memory_space<hbm>>
      %dma_start3A_362 = tpu.memref_slice %arg11[%dma_start3A_355] : memref<4x!tpu.dma_semaphore, #tpu.memory_space<semaphore_mem>> -> memref<1x!tpu.dma_semaphore, #tpu.memory_space<semaphore_mem>>
      %dma_start3A_363 = tpu.memref_squeeze %dma_start3A_362 : memref<1x!tpu.dma_semaphore, #tpu.memory_space<semaphore_mem>> -> memref<!tpu.dma_semaphore, #tpu.memory_space<semaphore_mem>>
      %dma_start3A_364 = arith.constant 0 : i32
      %dma_start3A_365 = tpu.memref_slice %arg5[%add3A_353, %dma_start3A_364] : memref<32768x1024xf32, #tpu.memory_space<hbm>> -> memref<8x1024xf32, #tpu.memory_space<hbm>>
      %dma_start3A_366 = arith.constant 0 : i32
      %dma_start3A_367 = arith.constant 0 : i32
      %dma_start3A_368 = tpu.memref_slice %arg7[%dma_start3A_354, %dma_start3A_366, %dma_start3A_367] : memref<4x8x1024xf32, #tpu.memory_space<vmem>> -> memref<1x8x1024xf32, #tpu.memory_space<vmem>>
      %dma_start3A_369 = tpu.memref_squeeze %dma_start3A_368 : memref<1x8x1024xf32, #tpu.memory_space<vmem>> -> memref<8x1024xf32, #tpu.memory_space<vmem>>
      tpu.enqueue_dma source(%dma_start3A_369 : memref<8x1024xf32, #tpu.memory_space<vmem>>) target(%dma_start3A_365 : memref<8x1024xf32, #tpu.memory_space<hbm>>) target_semaphore(%dma_start3A_363 : memref<!tpu.dma_semaphore, #tpu.memory_space<semaphore_mem>>)
      %add3A_370 = arith.constant 3 : i32
      %add3A_371 = arith.addi %add3A_174, %add3A_370 : i32
      %add3A_372 = arith.constant 3 : i32
      %add3A_373 = arith.addi %add3A_371, %add3A_372 : i32
      %lt3A_374 = arith.constant 128 : i32
      %lt3A_375 = arith.cmpi slt, %add3A_373, %lt3A_374 : i32
      %convert_element_type3A_376 = arith.extui %lt3A_375 : i1 to i32
      %cond3A_377 = arith.constant 0 : i32
      %cond3A_378 = arith.cmpi ne, %convert_element_type3A_376, %cond3A_377 : i32
      scf.if %cond3A_378 {
        %ge3A = arith.constant 1 : i32
        %ge3A_436 = arith.cmpi sge, %add3A_371, %ge3A : i32
        %convert_element_type3A_437 = arith.extui %ge3A_436 : i1 to i32
        %cond3A_438 = arith.constant 0 : i32
        %cond3A_439 = arith.cmpi ne, %convert_element_type3A_437, %cond3A_438 : i32
        scf.if %cond3A_439 {
          %sub3A = arith.constant 1 : i32
          %sub3A_473 = arith.subi %add3A_371, %sub3A : i32
          %mul3A_474 = arith.constant 8 : i32
          %mul3A_475 = arith.muli %sub3A_473, %mul3A_474 : i32
          %add3A_476 = arith.addi %mul3A_2, %mul3A_475 : i32
          %dma_wait3A_477 = arith.constant 2 : i32
          %dma_wait3A_478 = arith.constant 2 : i32
          %dma_wait3A_479 = arith.constant 0 : i32
          %dma_wait3A_480 = arith.constant 0 : i32
          %dma_wait3A_481 = tpu.memref_slice %arg7[%dma_wait3A_477, %dma_wait3A_479, %dma_wait3A_480] : memref<4x8x1024xf32, #tpu.memory_space<vmem>> -> memref<1x8x1024xf32, #tpu.memory_space<vmem>>
          %dma_wait3A_482 = tpu.memref_squeeze %dma_wait3A_481 : memref<1x8x1024xf32, #tpu.memory_space<vmem>> -> memref<8x1024xf32, #tpu.memory_space<vmem>>
          %dma_wait3A_483 = arith.constant 0 : i32
          %dma_wait3A_484 = tpu.memref_slice %arg5[%add3A_476, %dma_wait3A_483] : memref<32768x1024xf32, #tpu.memory_space<hbm>> -> memref<8x1024xf32, #tpu.memory_space<hbm>>
          %dma_wait3A_485 = tpu.memref_slice %arg11[%dma_wait3A_478] : memref<4x!tpu.dma_semaphore, #tpu.memory_space<semaphore_mem>> -> memref<1x!tpu.dma_semaphore, #tpu.memory_space<semaphore_mem>>
          %dma_wait3A_486 = tpu.memref_squeeze %dma_wait3A_485 : memref<1x!tpu.dma_semaphore, #tpu.memory_space<semaphore_mem>> -> memref<!tpu.dma_semaphore, #tpu.memory_space<semaphore_mem>>
          %dma_wait3A_487 = arith.constant 0 : i32
          %dma_wait3A_488 = tpu.memref_slice %arg5[%add3A_476, %dma_wait3A_487] : memref<32768x1024xf32, #tpu.memory_space<hbm>> -> memref<8x1024xf32, #tpu.memory_space<hbm>>
          %dma_wait3A_489 = arith.constant 0 : i32
          %dma_wait3A_490 = arith.constant 0 : i32
          %dma_wait3A_491 = tpu.memref_slice %arg7[%dma_wait3A_477, %dma_wait3A_489, %dma_wait3A_490] : memref<4x8x1024xf32, #tpu.memory_space<vmem>> -> memref<1x8x1024xf32, #tpu.memory_space<vmem>>
          %dma_wait3A_492 = tpu.memref_squeeze %dma_wait3A_491 : memref<1x8x1024xf32, #tpu.memory_space<vmem>> -> memref<8x1024xf32, #tpu.memory_space<vmem>>
          tpu.wait_dma2 semaphore(%dma_wait3A_486 : memref<!tpu.dma_semaphore, #tpu.memory_space<semaphore_mem>>) src(%dma_wait3A_492 : memref<8x1024xf32, #tpu.memory_space<vmem>>) dst(%dma_wait3A_488 : memref<8x1024xf32, #tpu.memory_space<hbm>>)
        } else {
        }
        %mul3A_440 = arith.constant 8 : i32
        %mul3A_441 = arith.muli %add3A_373, %mul3A_440 : i32
        %dma_start3A_442 = arith.constant 2 : i32
        %dma_start3A_443 = arith.constant 2 : i32
        %dma_start3A_444 = arith.constant 0 : i32
        %dma_start3A_445 = arith.constant 0 : i32
        %dma_start3A_446 = tpu.memref_slice %arg7[%dma_start3A_442, %dma_start3A_444, %dma_start3A_445] : memref<4x8x1024xf32, #tpu.memory_space<vmem>> -> memref<1x8x1024xf32, #tpu.memory_space<vmem>>
        %dma_start3A_447 = tpu.memref_squeeze %dma_start3A_446 : memref<1x8x1024xf32, #tpu.memory_space<vmem>> -> memref<8x1024xf32, #tpu.memory_space<vmem>>
        %dma_start3A_448 = tpu.memref_slice %arg6[%mul3A_441] : memref<1024xi32, #tpu.memory_space<vmem>> -> memref<8xi32, #tpu.memory_space<vmem>>
        %dma_start3A_449 = arith.constant 0 : i32
        %dma_start3A_450 = arith.constant 0 : i32
        %dma_start3A_451 = tpu.memref_slice %arg4[%dma_start3A_449, %dma_start3A_450] : memref<8192x1024xf32, #tpu.memory_space<hbm>> -> memref<8192x1024xf32, #tpu.memory_space<hbm>>
        %dma_start3A_452 = tpu.memref_slice %arg9[%dma_start3A_443] : memref<4x!tpu.dma_semaphore, #tpu.memory_space<semaphore_mem>> -> memref<1x!tpu.dma_semaphore, #tpu.memory_space<semaphore_mem>>
        %dma_start3A_453 = tpu.memref_squeeze %dma_start3A_452 : memref<1x!tpu.dma_semaphore, #tpu.memory_space<semaphore_mem>> -> memref<!tpu.dma_semaphore, #tpu.memory_space<semaphore_mem>>
        tpu.enqueue_indirect_dma source(%dma_start3A_451 : memref<8192x1024xf32, #tpu.memory_space<hbm>>) target(%dma_start3A_447 : memref<8x1024xf32, #tpu.memory_space<vmem>>) offsets(%dma_start3A_448 : memref<8xi32, #tpu.memory_space<vmem>>) semaphore(%dma_start3A_453 : memref<!tpu.dma_semaphore, #tpu.memory_space<semaphore_mem>>)
        %mul3A_454 = arith.constant 8 : i32
        %mul3A_455 = arith.muli %add3A_373, %mul3A_454 : i32
        %add3A_456 = arith.addi %mul3A_2, %mul3A_455 : i32
        %dma_start3A_457 = arith.constant 2 : i32
        %dma_start3A_458 = arith.constant 2 : i32
        %dma_start3A_459 = arith.constant 0 : i32
        %dma_start3A_460 = arith.constant 0 : i32
        %dma_start3A_461 = tpu.memref_slice %arg8[%dma_start3A_457, %dma_start3A_459, %dma_start3A_460] : memref<4x8x1024xf32, #tpu.memory_space<vmem>> -> memref<1x8x1024xf32, #tpu.memory_space<vmem>>
        %dma_start3A_462 = tpu.memref_squeeze %dma_start3A_461 : memref<1x8x1024xf32, #tpu.memory_space<vmem>> -> memref<8x1024xf32, #tpu.memory_space<vmem>>
        %dma_start3A_463 = arith.constant 0 : i32
        %dma_start3A_464 = tpu.memref_slice %arg2[%add3A_456, %dma_start3A_463] : memref<32768x1024xf32, #tpu.memory_space<hbm>> -> memref<8x1024xf32, #tpu.memory_space<hbm>>
        %dma_start3A_465 = tpu.memref_slice %arg10[%dma_start3A_458] : memref<4x!tpu.dma_semaphore, #tpu.memory_space<semaphore_mem>> -> memref<1x!tpu.dma_semaphore, #tpu.memory_space<semaphore_mem>>
        %dma_start3A_466 = tpu.memref_squeeze %dma_start3A_465 : memref<1x!tpu.dma_semaphore, #tpu.memory_space<semaphore_mem>> -> memref<!tpu.dma_semaphore, #tpu.memory_space<semaphore_mem>>
        %dma_start3A_467 = arith.constant 0 : i32
        %dma_start3A_468 = arith.constant 0 : i32
        %dma_start3A_469 = tpu.memref_slice %arg8[%dma_start3A_457, %dma_start3A_467, %dma_start3A_468] : memref<4x8x1024xf32, #tpu.memory_space<vmem>> -> memref<1x8x1024xf32, #tpu.memory_space<vmem>>
        %dma_start3A_470 = tpu.memref_squeeze %dma_start3A_469 : memref<1x8x1024xf32, #tpu.memory_space<vmem>> -> memref<8x1024xf32, #tpu.memory_space<vmem>>
        %dma_start3A_471 = arith.constant 0 : i32
        %dma_start3A_472 = tpu.memref_slice %arg2[%add3A_456, %dma_start3A_471] : memref<32768x1024xf32, #tpu.memory_space<hbm>> -> memref<8x1024xf32, #tpu.memory_space<hbm>>
        tpu.enqueue_dma source(%dma_start3A_472 : memref<8x1024xf32, #tpu.memory_space<hbm>>) target(%dma_start3A_470 : memref<8x1024xf32, #tpu.memory_space<vmem>>) target_semaphore(%dma_start3A_466 : memref<!tpu.dma_semaphore, #tpu.memory_space<semaphore_mem>>)
      } else {
      }
      %mul3A_379 = arith.constant 8 : i32
      %mul3A_380 = arith.muli %add3A_371, %mul3A_379 : i32
      %dma_wait3A_381 = arith.constant 3 : i32
      %dma_wait3A_382 = arith.constant 3 : i32
      %dma_wait3A_383 = arith.constant 0 : i32
      %dma_wait3A_384 = arith.constant 0 : i32
      %dma_wait3A_385 = tpu.memref_slice %arg7[%dma_wait3A_381, %dma_wait3A_383, %dma_wait3A_384] : memref<4x8x1024xf32, #tpu.memory_space<vmem>> -> memref<1x8x1024xf32, #tpu.memory_space<vmem>>
      %dma_wait3A_386 = tpu.memref_squeeze %dma_wait3A_385 : memref<1x8x1024xf32, #tpu.memory_space<vmem>> -> memref<8x1024xf32, #tpu.memory_space<vmem>>
      %dma_wait3A_387 = tpu.memref_slice %arg6[%mul3A_380] : memref<1024xi32, #tpu.memory_space<vmem>> -> memref<8xi32, #tpu.memory_space<vmem>>
      %dma_wait3A_388 = arith.constant 0 : i32
      %dma_wait3A_389 = arith.constant 0 : i32
      %dma_wait3A_390 = tpu.memref_slice %arg4[%dma_wait3A_388, %dma_wait3A_389] : memref<8192x1024xf32, #tpu.memory_space<hbm>> -> memref<8192x1024xf32, #tpu.memory_space<hbm>>
      %dma_wait3A_391 = tpu.memref_slice %arg9[%dma_wait3A_382] : memref<4x!tpu.dma_semaphore, #tpu.memory_space<semaphore_mem>> -> memref<1x!tpu.dma_semaphore, #tpu.memory_space<semaphore_mem>>
      %dma_wait3A_392 = tpu.memref_squeeze %dma_wait3A_391 : memref<1x!tpu.dma_semaphore, #tpu.memory_space<semaphore_mem>> -> memref<!tpu.dma_semaphore, #tpu.memory_space<semaphore_mem>>
      tpu.wait_indirect_dma semaphore(%dma_wait3A_392 : memref<!tpu.dma_semaphore, #tpu.memory_space<semaphore_mem>>) src(%dma_wait3A_390 : memref<8192x1024xf32, #tpu.memory_space<hbm>>) dst(%dma_wait3A_386 : memref<8x1024xf32, #tpu.memory_space<vmem>>)
      %mul3A_393 = arith.constant 8 : i32
      %mul3A_394 = arith.muli %add3A_371, %mul3A_393 : i32
      %add3A_395 = arith.addi %mul3A_2, %mul3A_394 : i32
      %dma_wait3A_396 = arith.constant 3 : i32
      %dma_wait3A_397 = arith.constant 3 : i32
      %dma_wait3A_398 = arith.constant 0 : i32
      %dma_wait3A_399 = arith.constant 0 : i32
      %dma_wait3A_400 = tpu.memref_slice %arg8[%dma_wait3A_396, %dma_wait3A_398, %dma_wait3A_399] : memref<4x8x1024xf32, #tpu.memory_space<vmem>> -> memref<1x8x1024xf32, #tpu.memory_space<vmem>>
      %dma_wait3A_401 = tpu.memref_squeeze %dma_wait3A_400 : memref<1x8x1024xf32, #tpu.memory_space<vmem>> -> memref<8x1024xf32, #tpu.memory_space<vmem>>
      %dma_wait3A_402 = arith.constant 0 : i32
      %dma_wait3A_403 = tpu.memref_slice %arg2[%add3A_395, %dma_wait3A_402] : memref<32768x1024xf32, #tpu.memory_space<hbm>> -> memref<8x1024xf32, #tpu.memory_space<hbm>>
      %dma_wait3A_404 = tpu.memref_slice %arg10[%dma_wait3A_397] : memref<4x!tpu.dma_semaphore, #tpu.memory_space<semaphore_mem>> -> memref<1x!tpu.dma_semaphore, #tpu.memory_space<semaphore_mem>>
      %dma_wait3A_405 = tpu.memref_squeeze %dma_wait3A_404 : memref<1x!tpu.dma_semaphore, #tpu.memory_space<semaphore_mem>> -> memref<!tpu.dma_semaphore, #tpu.memory_space<semaphore_mem>>
      %dma_wait3A_406 = arith.constant 0 : i32
      %dma_wait3A_407 = arith.constant 0 : i32
      %dma_wait3A_408 = tpu.memref_slice %arg8[%dma_wait3A_396, %dma_wait3A_406, %dma_wait3A_407] : memref<4x8x1024xf32, #tpu.memory_space<vmem>> -> memref<1x8x1024xf32, #tpu.memory_space<vmem>>
      %dma_wait3A_409 = tpu.memref_squeeze %dma_wait3A_408 : memref<1x8x1024xf32, #tpu.memory_space<vmem>> -> memref<8x1024xf32, #tpu.memory_space<vmem>>
      %dma_wait3A_410 = arith.constant 0 : i32
      %dma_wait3A_411 = tpu.memref_slice %arg2[%add3A_395, %dma_wait3A_410] : memref<32768x1024xf32, #tpu.memory_space<hbm>> -> memref<8x1024xf32, #tpu.memory_space<hbm>>
      tpu.wait_dma2 semaphore(%dma_wait3A_405 : memref<!tpu.dma_semaphore, #tpu.memory_space<semaphore_mem>>) src(%dma_wait3A_411 : memref<8x1024xf32, #tpu.memory_space<hbm>>) dst(%dma_wait3A_409 : memref<8x1024xf32, #tpu.memory_space<vmem>>)
      %scan3A_412 = arith.constant 0 : i32
      %scan3A_413 = arith.constant 8 : i32
      %scan3A_414 = arith.addi %scan3A_412, %scan3A_413 : i32
      %scan3A_415 = arith.constant 1 : i32
      scf.for %scan3A_436 = %scan3A_412 to %scan3A_414 step %scan3A_415  : i32 {
        %mul3A_437 = arith.constant 1 : i32
        %mul3A_438 = arith.muli %scan3A_436, %mul3A_437 : i32
        %add3A_439 = arith.constant 0 : i32
        %add3A_440 = arith.addi %add3A_439, %mul3A_438 : i32
        %scan3A_441 = arith.constant 0 : i32
        %scan3A_442 = arith.constant 64 : i32
        %scan3A_443 = arith.addi %scan3A_441, %scan3A_442 : i32
        %scan3A_444 = arith.constant 8 : i32
        scf.for %scan3A_446 = %scan3A_441 to %scan3A_443 step %scan3A_444  : i32 {
          %mul3A_447 = arith.constant 1 : i32
          %mul3A_448 = arith.muli %scan3A_446, %mul3A_447 : i32
          %add3A_449 = arith.constant 0 : i32
          %add3A_450 = arith.addi %add3A_449, %mul3A_448 : i32
          %mul3A_451 = arith.constant 16 : i32
          %mul3A_452 = arith.muli %add3A_450, %mul3A_451 : i32
          %get3A = arith.constant 3 : i32
          %get3A_453 = arith.index_cast %get3A : i32 to index
          %get3A_454 = arith.index_cast %add3A_440 : i32 to index
          %get3A_455 = arith.index_cast %mul3A_452 : i32 to index
          %get3A_456 = tpu.vector_load %arg8[%get3A_453, %get3A_454, %get3A_455] {strides = array<i32>} : memref<4x8x1024xf32, #tpu.memory_space<vmem>>, vector<1x1x16xf32>,
          %get3A_457 = vector.shape_cast %get3A_456 : vector<1x1x16xf32> to vector<16xf32>
          %mul3A_458 = arith.constant 16 : i32
          %mul3A_459 = arith.muli %add3A_450, %mul3A_458 : i32
          %swap3A = arith.constant 3 : i32
          %swap3A_460 = arith.index_cast %swap3A : i32 to index
          %swap3A_461 = arith.index_cast %add3A_440 : i32 to index
          %swap3A_462 = arith.index_cast %mul3A_459 : i32 to index
          %swap3A_463 = tpu.vector_load %arg7[%swap3A_460, %swap3A_461, %swap3A_462] {strides = array<i32>} : memref<4x8x1024xf32, #tpu.memory_space<vmem>>, vector<1x1x16xf32>,
          %swap3A_464 = vector.shape_cast %swap3A_463 : vector<1x1x16xf32> to vector<16xf32>
          %swap3A_465 = vector.shape_cast %get3A_457 : vector<16xf32> to vector<1x1x16xf32>
          tpu.vector_store %arg7[%swap3A_460, %swap3A_461, %swap3A_462], %swap3A_465 {add = true, strides = array<i32>} : memref<4x8x1024xf32, #tpu.memory_space<vmem>>, vector<1x1x16xf32>,
          %scan3A_466 = arith.constant 1 : i32
          %scan3A_467 = arith.addi %scan3A_446, %scan3A_466 : i32
          %mul3A_468 = arith.constant 1 : i32
          %mul3A_469 = arith.muli %scan3A_467, %mul3A_468 : i32
          %add3A_470 = arith.constant 0 : i32
          %add3A_471 = arith.addi %add3A_470, %mul3A_469 : i32
          %mul3A_472 = arith.constant 16 : i32
          %mul3A_473 = arith.muli %add3A_471, %mul3A_472 : i32
          %get3A_474 = arith.constant 3 : i32
          %get3A_475 = arith.index_cast %get3A_474 : i32 to index
          %get3A_476 = arith.index_cast %add3A_440 : i32 to index
          %get3A_477 = arith.index_cast %mul3A_473 : i32 to index
          %get3A_478 = tpu.vector_load %arg8[%get3A_475, %get3A_476, %get3A_477] {strides = array<i32>} : memref<4x8x1024xf32, #tpu.memory_space<vmem>>, vector<1x1x16xf32>,
          %get3A_479 = vector.shape_cast %get3A_478 : vector<1x1x16xf32> to vector<16xf32>
          %mul3A_480 = arith.constant 16 : i32
          %mul3A_481 = arith.muli %add3A_471, %mul3A_480 : i32
          %swap3A_482 = arith.constant 3 : i32
          %swap3A_483 = arith.index_cast %swap3A_482 : i32 to index
          %swap3A_484 = arith.index_cast %add3A_440 : i32 to index
          %swap3A_485 = arith.index_cast %mul3A_481 : i32 to index
          %swap3A_486 = tpu.vector_load %arg7[%swap3A_483, %swap3A_484, %swap3A_485] {strides = array<i32>} : memref<4x8x1024xf32, #tpu.memory_space<vmem>>, vector<1x1x16xf32>,
          %swap3A_487 = vector.shape_cast %swap3A_486 : vector<1x1x16xf32> to vector<16xf32>
          %swap3A_488 = vector.shape_cast %get3A_479 : vector<16xf32> to vector<1x1x16xf32>
          tpu.vector_store %arg7[%swap3A_483, %swap3A_484, %swap3A_485], %swap3A_488 {add = true, strides = array<i32>} : memref<4x8x1024xf32, #tpu.memory_space<vmem>>, vector<1x1x16xf32>,
          %scan3A_489 = arith.constant 2 : i32
          %scan3A_490 = arith.addi %scan3A_446, %scan3A_489 : i32
          %mul3A_491 = arith.constant 1 : i32
          %mul3A_492 = arith.muli %scan3A_490, %mul3A_491 : i32
          %add3A_493 = arith.constant 0 : i32
          %add3A_494 = arith.addi %add3A_493, %mul3A_492 : i32
          %mul3A_495 = arith.constant 16 : i32
          %mul3A_496 = arith.muli %add3A_494, %mul3A_495 : i32
          %get3A_497 = arith.constant 3 : i32
          %get3A_498 = arith.index_cast %get3A_497 : i32 to index
          %get3A_499 = arith.index_cast %add3A_440 : i32 to index
          %get3A_500 = arith.index_cast %mul3A_496 : i32 to index
          %get3A_501 = tpu.vector_load %arg8[%get3A_498, %get3A_499, %get3A_500] {strides = array<i32>} : memref<4x8x1024xf32, #tpu.memory_space<vmem>>, vector<1x1x16xf32>,
          %get3A_502 = vector.shape_cast %get3A_501 : vector<1x1x16xf32> to vector<16xf32>
          %mul3A_503 = arith.constant 16 : i32
          %mul3A_504 = arith.muli %add3A_494, %mul3A_503 : i32
          %swap3A_505 = arith.constant 3 : i32
          %swap3A_506 = arith.index_cast %swap3A_505 : i32 to index
          %swap3A_507 = arith.index_cast %add3A_440 : i32 to index
          %swap3A_508 = arith.index_cast %mul3A_504 : i32 to index
          %swap3A_509 = tpu.vector_load %arg7[%swap3A_506, %swap3A_507, %swap3A_508] {strides = array<i32>} : memref<4x8x1024xf32, #tpu.memory_space<vmem>>, vector<1x1x16xf32>,
          %swap3A_510 = vector.shape_cast %swap3A_509 : vector<1x1x16xf32> to vector<16xf32>
          %swap3A_511 = vector.shape_cast %get3A_502 : vector<16xf32> to vector<1x1x16xf32>
          tpu.vector_store %arg7[%swap3A_506, %swap3A_507, %swap3A_508], %swap3A_511 {add = true, strides = array<i32>} : memref<4x8x1024xf32, #tpu.memory_space<vmem>>, vector<1x1x16xf32>,
          %scan3A_512 = arith.constant 3 : i32
          %scan3A_513 = arith.addi %scan3A_446, %scan3A_512 : i32
          %mul3A_514 = arith.constant 1 : i32
          %mul3A_515 = arith.muli %scan3A_513, %mul3A_514 : i32
          %add3A_516 = arith.constant 0 : i32
          %add3A_517 = arith.addi %add3A_516, %mul3A_515 : i32
          %mul3A_518 = arith.constant 16 : i32
          %mul3A_519 = arith.muli %add3A_517, %mul3A_518 : i32
          %get3A_520 = arith.constant 3 : i32
          %get3A_521 = arith.index_cast %get3A_520 : i32 to index
          %get3A_522 = arith.index_cast %add3A_440 : i32 to index
          %get3A_523 = arith.index_cast %mul3A_519 : i32 to index
          %get3A_524 = tpu.vector_load %arg8[%get3A_521, %get3A_522, %get3A_523] {strides = array<i32>} : memref<4x8x1024xf32, #tpu.memory_space<vmem>>, vector<1x1x16xf32>,
          %get3A_525 = vector.shape_cast %get3A_524 : vector<1x1x16xf32> to vector<16xf32>
          %mul3A_526 = arith.constant 16 : i32
          %mul3A_527 = arith.muli %add3A_517, %mul3A_526 : i32
          %swap3A_528 = arith.constant 3 : i32
          %swap3A_529 = arith.index_cast %swap3A_528 : i32 to index
          %swap3A_530 = arith.index_cast %add3A_440 : i32 to index
          %swap3A_531 = arith.index_cast %mul3A_527 : i32 to index
          %swap3A_532 = tpu.vector_load %arg7[%swap3A_529, %swap3A_530, %swap3A_531] {strides = array<i32>} : memref<4x8x1024xf32, #tpu.memory_space<vmem>>, vector<1x1x16xf32>,
          %swap3A_533 = vector.shape_cast %swap3A_532 : vector<1x1x16xf32> to vector<16xf32>
          %swap3A_534 = vector.shape_cast %get3A_525 : vector<16xf32> to vector<1x1x16xf32>
          tpu.vector_store %arg7[%swap3A_529, %swap3A_530, %swap3A_531], %swap3A_534 {add = true, strides = array<i32>} : memref<4x8x1024xf32, #tpu.memory_space<vmem>>, vector<1x1x16xf32>,
          %scan3A_535 = arith.constant 4 : i32
          %scan3A_536 = arith.addi %scan3A_446, %scan3A_535 : i32
          %mul3A_537 = arith.constant 1 : i32
          %mul3A_538 = arith.muli %scan3A_536, %mul3A_537 : i32
          %add3A_539 = arith.constant 0 : i32
          %add3A_540 = arith.addi %add3A_539, %mul3A_538 : i32
          %mul3A_541 = arith.constant 16 : i32
          %mul3A_542 = arith.muli %add3A_540, %mul3A_541 : i32
          %get3A_543 = arith.constant 3 : i32
          %get3A_544 = arith.index_cast %get3A_543 : i32 to index
          %get3A_545 = arith.index_cast %add3A_440 : i32 to index
          %get3A_546 = arith.index_cast %mul3A_542 : i32 to index
          %get3A_547 = tpu.vector_load %arg8[%get3A_544, %get3A_545, %get3A_546] {strides = array<i32>} : memref<4x8x1024xf32, #tpu.memory_space<vmem>>, vector<1x1x16xf32>,
          %get3A_548 = vector.shape_cast %get3A_547 : vector<1x1x16xf32> to vector<16xf32>
          %mul3A_549 = arith.constant 16 : i32
          %mul3A_550 = arith.muli %add3A_540, %mul3A_549 : i32
          %swap3A_551 = arith.constant 3 : i32
          %swap3A_552 = arith.index_cast %swap3A_551 : i32 to index
          %swap3A_553 = arith.index_cast %add3A_440 : i32 to index
          %swap3A_554 = arith.index_cast %mul3A_550 : i32 to index
          %swap3A_555 = tpu.vector_load %arg7[%swap3A_552, %swap3A_553, %swap3A_554] {strides = array<i32>} : memref<4x8x1024xf32, #tpu.memory_space<vmem>>, vector<1x1x16xf32>,
          %swap3A_556 = vector.shape_cast %swap3A_555 : vector<1x1x16xf32> to vector<16xf32>
          %swap3A_557 = vector.shape_cast %get3A_548 : vector<16xf32> to vector<1x1x16xf32>
          tpu.vector_store %arg7[%swap3A_552, %swap3A_553, %swap3A_554], %swap3A_557 {add = true, strides = array<i32>} : memref<4x8x1024xf32, #tpu.memory_space<vmem>>, vector<1x1x16xf32>,
          %scan3A_558 = arith.constant 5 : i32
          %scan3A_559 = arith.addi %scan3A_446, %scan3A_558 : i32
          %mul3A_560 = arith.constant 1 : i32
          %mul3A_561 = arith.muli %scan3A_559, %mul3A_560 : i32
          %add3A_562 = arith.constant 0 : i32
          %add3A_563 = arith.addi %add3A_562, %mul3A_561 : i32
          %mul3A_564 = arith.constant 16 : i32
          %mul3A_565 = arith.muli %add3A_563, %mul3A_564 : i32
          %get3A_566 = arith.constant 3 : i32
          %get3A_567 = arith.index_cast %get3A_566 : i32 to index
          %get3A_568 = arith.index_cast %add3A_440 : i32 to index
          %get3A_569 = arith.index_cast %mul3A_565 : i32 to index
          %get3A_570 = tpu.vector_load %arg8[%get3A_567, %get3A_568, %get3A_569] {strides = array<i32>} : memref<4x8x1024xf32, #tpu.memory_space<vmem>>, vector<1x1x16xf32>,
          %get3A_571 = vector.shape_cast %get3A_570 : vector<1x1x16xf32> to vector<16xf32>
          %mul3A_572 = arith.constant 16 : i32
          %mul3A_573 = arith.muli %add3A_563, %mul3A_572 : i32
          %swap3A_574 = arith.constant 3 : i32
          %swap3A_575 = arith.index_cast %swap3A_574 : i32 to index
          %swap3A_576 = arith.index_cast %add3A_440 : i32 to index
          %swap3A_577 = arith.index_cast %mul3A_573 : i32 to index
          %swap3A_578 = tpu.vector_load %arg7[%swap3A_575, %swap3A_576, %swap3A_577] {strides = array<i32>} : memref<4x8x1024xf32, #tpu.memory_space<vmem>>, vector<1x1x16xf32>,
          %swap3A_579 = vector.shape_cast %swap3A_578 : vector<1x1x16xf32> to vector<16xf32>
          %swap3A_580 = vector.shape_cast %get3A_571 : vector<16xf32> to vector<1x1x16xf32>
          tpu.vector_store %arg7[%swap3A_575, %swap3A_576, %swap3A_577], %swap3A_580 {add = true, strides = array<i32>} : memref<4x8x1024xf32, #tpu.memory_space<vmem>>, vector<1x1x16xf32>,
          %scan3A_581 = arith.constant 6 : i32
          %scan3A_582 = arith.addi %scan3A_446, %scan3A_581 : i32
          %mul3A_583 = arith.constant 1 : i32
          %mul3A_584 = arith.muli %scan3A_582, %mul3A_583 : i32
          %add3A_585 = arith.constant 0 : i32
          %add3A_586 = arith.addi %add3A_585, %mul3A_584 : i32
          %mul3A_587 = arith.constant 16 : i32
          %mul3A_588 = arith.muli %add3A_586, %mul3A_587 : i32
          %get3A_589 = arith.constant 3 : i32
          %get3A_590 = arith.index_cast %get3A_589 : i32 to index
          %get3A_591 = arith.index_cast %add3A_440 : i32 to index
          %get3A_592 = arith.index_cast %mul3A_588 : i32 to index
          %get3A_593 = tpu.vector_load %arg8[%get3A_590, %get3A_591, %get3A_592] {strides = array<i32>} : memref<4x8x1024xf32, #tpu.memory_space<vmem>>, vector<1x1x16xf32>,
          %get3A_594 = vector.shape_cast %get3A_593 : vector<1x1x16xf32> to vector<16xf32>
          %mul3A_595 = arith.constant 16 : i32
          %mul3A_596 = arith.muli %add3A_586, %mul3A_595 : i32
          %swap3A_597 = arith.constant 3 : i32
          %swap3A_598 = arith.index_cast %swap3A_597 : i32 to index
          %swap3A_599 = arith.index_cast %add3A_440 : i32 to index
          %swap3A_600 = arith.index_cast %mul3A_596 : i32 to index
          %swap3A_601 = tpu.vector_load %arg7[%swap3A_598, %swap3A_599, %swap3A_600] {strides = array<i32>} : memref<4x8x1024xf32, #tpu.memory_space<vmem>>, vector<1x1x16xf32>,
          %swap3A_602 = vector.shape_cast %swap3A_601 : vector<1x1x16xf32> to vector<16xf32>
          %swap3A_603 = vector.shape_cast %get3A_594 : vector<16xf32> to vector<1x1x16xf32>
          tpu.vector_store %arg7[%swap3A_598, %swap3A_599, %swap3A_600], %swap3A_603 {add = true, strides = array<i32>} : memref<4x8x1024xf32, #tpu.memory_space<vmem>>, vector<1x1x16xf32>,
          %scan3A_604 = arith.constant 7 : i32
          %scan3A_605 = arith.addi %scan3A_446, %scan3A_604 : i32
          %mul3A_606 = arith.constant 1 : i32
          %mul3A_607 = arith.muli %scan3A_605, %mul3A_606 : i32
          %add3A_608 = arith.constant 0 : i32
          %add3A_609 = arith.addi %add3A_608, %mul3A_607 : i32
          %mul3A_610 = arith.constant 16 : i32
          %mul3A_611 = arith.muli %add3A_609, %mul3A_610 : i32
          %get3A_612 = arith.constant 3 : i32
          %get3A_613 = arith.index_cast %get3A_612 : i32 to index
          %get3A_614 = arith.index_cast %add3A_440 : i32 to index
          %get3A_615 = arith.index_cast %mul3A_611 : i32 to index
          %get3A_616 = tpu.vector_load %arg8[%get3A_613, %get3A_614, %get3A_615] {strides = array<i32>} : memref<4x8x1024xf32, #tpu.memory_space<vmem>>, vector<1x1x16xf32>,
          %get3A_617 = vector.shape_cast %get3A_616 : vector<1x1x16xf32> to vector<16xf32>
          %mul3A_618 = arith.constant 16 : i32
          %mul3A_619 = arith.muli %add3A_609, %mul3A_618 : i32
          %swap3A_620 = arith.constant 3 : i32
          %swap3A_621 = arith.index_cast %swap3A_620 : i32 to index
          %swap3A_622 = arith.index_cast %add3A_440 : i32 to index
          %swap3A_623 = arith.index_cast %mul3A_619 : i32 to index
          %swap3A_624 = tpu.vector_load %arg7[%swap3A_621, %swap3A_622, %swap3A_623] {strides = array<i32>} : memref<4x8x1024xf32, #tpu.memory_space<vmem>>, vector<1x1x16xf32>,
          %swap3A_625 = vector.shape_cast %swap3A_624 : vector<1x1x16xf32> to vector<16xf32>
          %swap3A_626 = vector.shape_cast %get3A_617 : vector<16xf32> to vector<1x1x16xf32>
          tpu.vector_store %arg7[%swap3A_621, %swap3A_622, %swap3A_623], %swap3A_626 {add = true, strides = array<i32>} : memref<4x8x1024xf32, #tpu.memory_space<vmem>>, vector<1x1x16xf32>,
        }
        %scan3A_445 = arith.constant 64 : i32
      }
      %scan3A_416 = arith.constant 8 : i32
      %mul3A_417 = arith.constant 8 : i32
      %mul3A_418 = arith.muli %add3A_371, %mul3A_417 : i32
      %add3A_419 = arith.addi %mul3A_2, %mul3A_418 : i32
      %dma_start3A_420 = arith.constant 3 : i32
      %dma_start3A_421 = arith.constant 3 : i32
      %dma_start3A_422 = arith.constant 0 : i32
      %dma_start3A_423 = arith.constant 0 : i32
      %dma_start3A_424 = tpu.memref_slice %arg7[%dma_start3A_420, %dma_start3A_422, %dma_start3A_423] : memref<4x8x1024xf32, #tpu.memory_space<vmem>> -> memref<1x8x1024xf32, #tpu.memory_space<vmem>>
      %dma_start3A_425 = tpu.memref_squeeze %dma_start3A_424 : memref<1x8x1024xf32, #tpu.memory_space<vmem>> -> memref<8x1024xf32, #tpu.memory_space<vmem>>
      %dma_start3A_426 = arith.constant 0 : i32
      %dma_start3A_427 = tpu.memref_slice %arg5[%add3A_419, %dma_start3A_426] : memref<32768x1024xf32, #tpu.memory_space<hbm>> -> memref<8x1024xf32, #tpu.memory_space<hbm>>
      %dma_start3A_428 = tpu.memref_slice %arg11[%dma_start3A_421] : memref<4x!tpu.dma_semaphore, #tpu.memory_space<semaphore_mem>> -> memref<1x!tpu.dma_semaphore, #tpu.memory_space<semaphore_mem>>
      %dma_start3A_429 = tpu.memref_squeeze %dma_start3A_428 : memref<1x!tpu.dma_semaphore, #tpu.memory_space<semaphore_mem>> -> memref<!tpu.dma_semaphore, #tpu.memory_space<semaphore_mem>>
      %dma_start3A_430 = arith.constant 0 : i32
      %dma_start3A_431 = tpu.memref_slice %arg5[%add3A_419, %dma_start3A_430] : memref<32768x1024xf32, #tpu.memory_space<hbm>> -> memref<8x1024xf32, #tpu.memory_space<hbm>>
      %dma_start3A_432 = arith.constant 0 : i32
      %dma_start3A_433 = arith.constant 0 : i32
      %dma_start3A_434 = tpu.memref_slice %arg7[%dma_start3A_420, %dma_start3A_432, %dma_start3A_433] : memref<4x8x1024xf32, #tpu.memory_space<vmem>> -> memref<1x8x1024xf32, #tpu.memory_space<vmem>>
      %dma_start3A_435 = tpu.memref_squeeze %dma_start3A_434 : memref<1x8x1024xf32, #tpu.memory_space<vmem>> -> memref<8x1024xf32, #tpu.memory_space<vmem>>
      tpu.enqueue_dma source(%dma_start3A_435 : memref<8x1024xf32, #tpu.memory_space<vmem>>) target(%dma_start3A_431 : memref<8x1024xf32, #tpu.memory_space<hbm>>) target_semaphore(%dma_start3A_429 : memref<!tpu.dma_semaphore, #tpu.memory_space<semaphore_mem>>)
    }
    %scan3A_98 = arith.constant 32 : i32
    %add3A_99 = arith.constant 992 : i32
    %add3A_100 = arith.addi %mul3A_2, %add3A_99 : i32
    %dma_wait3A = arith.constant 0 : i32
    %dma_wait3A_101 = arith.constant 0 : i32
    %dma_wait3A_102 = arith.constant 0 : i32
    %dma_wait3A_103 = arith.constant 0 : i32
    %dma_wait3A_104 = tpu.memref_slice %arg7[%dma_wait3A, %dma_wait3A_102, %dma_wait3A_103] : memref<4x8x1024xf32, #tpu.memory_space<vmem>> -> memref<1x8x1024xf32, #tpu.memory_space<vmem>>
    %dma_wait3A_105 = tpu.memref_squeeze %dma_wait3A_104 : memref<1x8x1024xf32, #tpu.memory_space<vmem>> -> memref<8x1024xf32, #tpu.memory_space<vmem>>
    %dma_wait3A_106 = arith.constant 0 : i32
    %dma_wait3A_107 = tpu.memref_slice %arg5[%add3A_100, %dma_wait3A_106] : memref<32768x1024xf32, #tpu.memory_space<hbm>> -> memref<8x1024xf32, #tpu.memory_space<hbm>>
    %dma_wait3A_108 = tpu.memref_slice %arg11[%dma_wait3A_101] : memref<4x!tpu.dma_semaphore, #tpu.memory_space<semaphore_mem>> -> memref<1x!tpu.dma_semaphore, #tpu.memory_space<semaphore_mem>>
    %dma_wait3A_109 = tpu.memref_squeeze %dma_wait3A_108 : memref<1x!tpu.dma_semaphore, #tpu.memory_space<semaphore_mem>> -> memref<!tpu.dma_semaphore, #tpu.memory_space<semaphore_mem>>
    %dma_wait3A_110 = arith.constant 0 : i32
    %dma_wait3A_111 = tpu.memref_slice %arg5[%add3A_100, %dma_wait3A_110] : memref<32768x1024xf32, #tpu.memory_space<hbm>> -> memref<8x1024xf32, #tpu.memory_space<hbm>>
    %dma_wait3A_112 = arith.constant 0 : i32
    %dma_wait3A_113 = arith.constant 0 : i32
    %dma_wait3A_114 = tpu.memref_slice %arg7[%dma_wait3A, %dma_wait3A_112, %dma_wait3A_113] : memref<4x8x1024xf32, #tpu.memory_space<vmem>> -> memref<1x8x1024xf32, #tpu.memory_space<vmem>>
    %dma_wait3A_115 = tpu.memref_squeeze %dma_wait3A_114 : memref<1x8x1024xf32, #tpu.memory_space<vmem>> -> memref<8x1024xf32, #tpu.memory_space<vmem>>
    tpu.wait_dma2 semaphore(%dma_wait3A_109 : memref<!tpu.dma_semaphore, #tpu.memory_space<semaphore_mem>>) src(%dma_wait3A_115 : memref<8x1024xf32, #tpu.memory_space<vmem>>) dst(%dma_wait3A_111 : memref<8x1024xf32, #tpu.memory_space<hbm>>)
    %add3A_116 = arith.constant 1000 : i32
    %add3A_117 = arith.addi %mul3A_2, %add3A_116 : i32
    %dma_wait3A_118 = arith.constant 1 : i32
    %dma_wait3A_119 = arith.constant 1 : i32
    %dma_wait3A_120 = arith.constant 0 : i32
    %dma_wait3A_121 = arith.constant 0 : i32
    %dma_wait3A_122 = tpu.memref_slice %arg7[%dma_wait3A_118, %dma_wait3A_120, %dma_wait3A_121] : memref<4x8x1024xf32, #tpu.memory_space<vmem>> -> memref<1x8x1024xf32, #tpu.memory_space<vmem>>
    %dma_wait3A_123 = tpu.memref_squeeze %dma_wait3A_122 : memref<1x8x1024xf32, #tpu.memory_space<vmem>> -> memref<8x1024xf32, #tpu.memory_space<vmem>>
    %dma_wait3A_124 = arith.constant 0 : i32
    %dma_wait3A_125 = tpu.memref_slice %arg5[%add3A_117, %dma_wait3A_124] : memref<32768x1024xf32, #tpu.memory_space<hbm>> -> memref<8x1024xf32, #tpu.memory_space<hbm>>
    %dma_wait3A_126 = tpu.memref_slice %arg11[%dma_wait3A_119] : memref<4x!tpu.dma_semaphore, #tpu.memory_space<semaphore_mem>> -> memref<1x!tpu.dma_semaphore, #tpu.memory_space<semaphore_mem>>
    %dma_wait3A_127 = tpu.memref_squeeze %dma_wait3A_126 : memref<1x!tpu.dma_semaphore, #tpu.memory_space<semaphore_mem>> -> memref<!tpu.dma_semaphore, #tpu.memory_space<semaphore_mem>>
    %dma_wait3A_128 = arith.constant 0 : i32
    %dma_wait3A_129 = tpu.memref_slice %arg5[%add3A_117, %dma_wait3A_128] : memref<32768x1024xf32, #tpu.memory_space<hbm>> -> memref<8x1024xf32, #tpu.memory_space<hbm>>
    %dma_wait3A_130 = arith.constant 0 : i32
    %dma_wait3A_131 = arith.constant 0 : i32
    %dma_wait3A_132 = tpu.memref_slice %arg7[%dma_wait3A_118, %dma_wait3A_130, %dma_wait3A_131] : memref<4x8x1024xf32, #tpu.memory_space<vmem>> -> memref<1x8x1024xf32, #tpu.memory_space<vmem>>
    %dma_wait3A_133 = tpu.memref_squeeze %dma_wait3A_132 : memref<1x8x1024xf32, #tpu.memory_space<vmem>> -> memref<8x1024xf32, #tpu.memory_space<vmem>>
    tpu.wait_dma2 semaphore(%dma_wait3A_127 : memref<!tpu.dma_semaphore, #tpu.memory_space<semaphore_mem>>) src(%dma_wait3A_133 : memref<8x1024xf32, #tpu.memory_space<vmem>>) dst(%dma_wait3A_129 : memref<8x1024xf32, #tpu.memory_space<hbm>>)
    %add3A_134 = arith.constant 1008 : i32
    %add3A_135 = arith.addi %mul3A_2, %add3A_134 : i32
    %dma_wait3A_136 = arith.constant 2 : i32
    %dma_wait3A_137 = arith.constant 2 : i32
    %dma_wait3A_138 = arith.constant 0 : i32
    %dma_wait3A_139 = arith.constant 0 : i32
    %dma_wait3A_140 = tpu.memref_slice %arg7[%dma_wait3A_136, %dma_wait3A_138, %dma_wait3A_139] : memref<4x8x1024xf32, #tpu.memory_space<vmem>> -> memref<1x8x1024xf32, #tpu.memory_space<vmem>>
    %dma_wait3A_141 = tpu.memref_squeeze %dma_wait3A_140 : memref<1x8x1024xf32, #tpu.memory_space<vmem>> -> memref<8x1024xf32, #tpu.memory_space<vmem>>
    %dma_wait3A_142 = arith.constant 0 : i32
    %dma_wait3A_143 = tpu.memref_slice %arg5[%add3A_135, %dma_wait3A_142] : memref<32768x1024xf32, #tpu.memory_space<hbm>> -> memref<8x1024xf32, #tpu.memory_space<hbm>>
    %dma_wait3A_144 = tpu.memref_slice %arg11[%dma_wait3A_137] : memref<4x!tpu.dma_semaphore, #tpu.memory_space<semaphore_mem>> -> memref<1x!tpu.dma_semaphore, #tpu.memory_space<semaphore_mem>>
    %dma_wait3A_145 = tpu.memref_squeeze %dma_wait3A_144 : memref<1x!tpu.dma_semaphore, #tpu.memory_space<semaphore_mem>> -> memref<!tpu.dma_semaphore, #tpu.memory_space<semaphore_mem>>
    %dma_wait3A_146 = arith.constant 0 : i32
    %dma_wait3A_147 = tpu.memref_slice %arg5[%add3A_135, %dma_wait3A_146] : memref<32768x1024xf32, #tpu.memory_space<hbm>> -> memref<8x1024xf32, #tpu.memory_space<hbm>>
    %dma_wait3A_148 = arith.constant 0 : i32
    %dma_wait3A_149 = arith.constant 0 : i32
    %dma_wait3A_150 = tpu.memref_slice %arg7[%dma_wait3A_136, %dma_wait3A_148, %dma_wait3A_149] : memref<4x8x1024xf32, #tpu.memory_space<vmem>> -> memref<1x8x1024xf32, #tpu.memory_space<vmem>>
    %dma_wait3A_151 = tpu.memref_squeeze %dma_wait3A_150 : memref<1x8x1024xf32, #tpu.memory_space<vmem>> -> memref<8x1024xf32, #tpu.memory_space<vmem>>
    tpu.wait_dma2 semaphore(%dma_wait3A_145 : memref<!tpu.dma_semaphore, #tpu.memory_space<semaphore_mem>>) src(%dma_wait3A_151 : memref<8x1024xf32, #tpu.memory_space<vmem>>) dst(%dma_wait3A_147 : memref<8x1024xf32, #tpu.memory_space<hbm>>)
    %add3A_152 = arith.constant 1016 : i32
    %add3A_153 = arith.addi %mul3A_2, %add3A_152 : i32
    %dma_wait3A_154 = arith.constant 3 : i32
    %dma_wait3A_155 = arith.constant 3 : i32
    %dma_wait3A_156 = arith.constant 0 : i32
    %dma_wait3A_157 = arith.constant 0 : i32
    %dma_wait3A_158 = tpu.memref_slice %arg7[%dma_wait3A_154, %dma_wait3A_156, %dma_wait3A_157] : memref<4x8x1024xf32, #tpu.memory_space<vmem>> -> memref<1x8x1024xf32, #tpu.memory_space<vmem>>
    %dma_wait3A_159 = tpu.memref_squeeze %dma_wait3A_158 : memref<1x8x1024xf32, #tpu.memory_space<vmem>> -> memref<8x1024xf32, #tpu.memory_space<vmem>>
    %dma_wait3A_160 = arith.constant 0 : i32
    %dma_wait3A_161 = tpu.memref_slice %arg5[%add3A_153, %dma_wait3A_160] : memref<32768x1024xf32, #tpu.memory_space<hbm>> -> memref<8x1024xf32, #tpu.memory_space<hbm>>
    %dma_wait3A_162 = tpu.memref_slice %arg11[%dma_wait3A_155] : memref<4x!tpu.dma_semaphore, #tpu.memory_space<semaphore_mem>> -> memref<1x!tpu.dma_semaphore, #tpu.memory_space<semaphore_mem>>
    %dma_wait3A_163 = tpu.memref_squeeze %dma_wait3A_162 : memref<1x!tpu.dma_semaphore, #tpu.memory_space<semaphore_mem>> -> memref<!tpu.dma_semaphore, #tpu.memory_space<semaphore_mem>>
    %dma_wait3A_164 = arith.constant 0 : i32
    %dma_wait3A_165 = tpu.memref_slice %arg5[%add3A_153, %dma_wait3A_164] : memref<32768x1024xf32, #tpu.memory_space<hbm>> -> memref<8x1024xf32, #tpu.memory_space<hbm>>
    %dma_wait3A_166 = arith.constant 0 : i32
    %dma_wait3A_167 = arith.constant 0 : i32
    %dma_wait3A_168 = tpu.memref_slice %arg7[%dma_wait3A_154, %dma_wait3A_166, %dma_wait3A_167] : memref<4x8x1024xf32, #tpu.memory_space<vmem>> -> memref<1x8x1024xf32, #tpu.memory_space<vmem>>
    %dma_wait3A_169 = tpu.memref_squeeze %dma_wait3A_168 : memref<1x8x1024xf32, #tpu.memory_space<vmem>> -> memref<8x1024xf32, #tpu.memory_space<vmem>>
    tpu.wait_dma2 semaphore(%dma_wait3A_163 : memref<!tpu.dma_semaphore, #tpu.memory_space<semaphore_mem>>) src(%dma_wait3A_169 : memref<8x1024xf32, #tpu.memory_space<vmem>>) dst(%dma_wait3A_165 : memref<8x1024xf32, #tpu.memory_space<hbm>>)
    return
  }
}

</mosaic_0001>

<sc_bundles>
// kernel: kernel.3.cloned.1.call-start
scs
__scs_entry_jumppad:
0x0: {  	(pc) =	sbr.rel $0x88, $3  }
0x1: {  	(tag) =	ssettag $0x0;
	lr =	simm.s32 $0x1  }
0x2: {  	[smem:$0x3F9E] =	sst lr;
	_ =	strace $0xD0000000  }
0x3: {  	_ = 	snop  }
0x4: {  	_ = 	snop  }
0x5: {  	_ = 	snop  }
0x6: {  	_ = 	snop  }
0x7: {  	_ = 	snop  }
__scs_overlays_trampoline_lowered:
0x8: {  	[smem:$0x3FAD] =	sst s0  }
0x9: {  	[smem:$0x3FAE] =	sst s1  }
0xa: {  	[smem:$0x3FAF] =	sst s2  }
0xb: {  	[smem:$0x3FB0] =	sst s3  }
0xc: {  	[smem:$0x3FB1] =	sst s4  }
0xd: {  	[smem:$0x3FB2] =	sst s5  }
0xe: {  	[smem:$0x3FB3] =	sst s6  }
0xf: {  	[smem:$0x3FB4] =	sst s7  }
0x10: {  	[smem:$0x3FB5] =	sst s8  }
0x11: {  	[smem:$0x3FB6] =	sst s9;
	s0 =	simm.s32 @!p0 $0x0  }
0x12: {  	s1 =	sld [smem:$0x3F9C];
	s0 =	simm.s32 @p0 $0x1  }
0x13: {  	[smem:$0x3FB7] =	sst s0;
	s0 =	simm.s32 @!p1 $0x0  }
0x14: {  	s2 =	sld [smem:$0x3F9B];
	s0 =	simm.s32 @p1 $0x1  }
0x15: {  	[smem:$0x3FB8] =	sst s0;
	s0 =	simm.s32 @!p2 $0x0  }
0x16: {  	s3 =	sld [smem:$0x3FDB];
	s0 =	simm.s32 @p2 $0x1  }
0x17: {  	s4 =	simm.s32 $0x1BF5;
	[smem:$0x3FBA] =	sst s0  }
0x18: {  	s0 =	sld [smem:$0x3F9D];
	_ =	swait.ge [sflag:s4], $0x0  }
0x19: {  	s7 =	sld [smem:$0x3F9E]  }
0x1a: {  	s8 =	sadd.s32 $0xFFFFE003, lr  }
0x1b: {  	s9 =	sadd.s32 $0xFFFFFEF7, lr;
	s5 =	simm.s32 $0xFFFFFFFF;
	p2 =	slt.u32 s8, $0xFFFFF086  }
0x1c: {  	p1 =	slt.u32 s9, $0xF7A;
	s5 =	simm.s32 @!p2 $0x0  }
0x1d: {  	s5 =	simm.s32 @p1 $0x1;
	p0 =	seq.s32 s7, s2  }
0x1e: {  	s7 =	smul.u32 @!p0 $0xF7A, s2;
	p2 =	seq.s32 @!p0 s5, $0x0  }
0x1f: {  	s9 =	smul.u32 $0xF7A, s1;
	s8 =	simm.s32 @!p0 $0x1BF5;
	p2 =	por !p2, p0  }
0x20: {  	[sflag:s8] =	ssyncset.s32 @!p0 $0xFFFFF086;
	s6 =	sadd.s32 @!p0 s3, s7;
	s7 =	simm.s32 @!p0 $0x108  }
0x21: {  	s3 =	sadd.s32 s3, s9;
	s6 =	sadd.s32 @!p0 $0x88, s6;
	s7 =	simm.s32 @p2 $0x1082  }
0x22: {  	[simem:s7], [sflag:s8] =	dma.local @!p0 [hbm:s6], $0xF7A  }
0x23: {  	s9 =	sor.u32 $0xD0000000, s2;
	s6 =	simm.s32 $0x108;
	_ =	swait.ge @!p0 [sflag:s8], $0x0  }
0x24: {  	s3 =	sadd.s32 $0x88, s3;
	s6 =	simm.s32 @!p1 $0x1082;
	[sflag:s4] =	ssyncset.s32 $0xFFFFF086  }
0x25: {  	[simem:s6], [sflag:s4] =	dma.local [hbm:s3], $0xF7A  }
0x26: {  	[smem:$0x3F9E] =	sst s1;
	(tag) =	ssettag s2;
	_ =	strace s9  }
0x27: {  	s1 =	sld [smem:$0x3FAE]  }
0x28: {  	s2 =	sld [smem:$0x3FAF]  }
0x29: {  	s4 =	sld [smem:$0x3FB1]  }
0x2a: {  	p0 =	seq.s32 s5, $0x0;
	s5 =	sld [smem:$0x3FB2]  }
0x2b: {  	s6 =	sld [smem:$0x3FB3]  }
0x2c: {  	s7 =	sld [smem:$0x3FB4]  }
0x2d: {  	s3 =	simm.s32 $0x108;
	s8 =	sld [smem:$0x3FB5]  }
0x2e: {  	s3 =	simm.s32 @!p0 $0x1082;
	s9 =	sld [smem:$0x3FB6]  }
0x2f: {  	lr =	sadd.s32 s0, s3;
	s0 =	sld [smem:$0x3FAD]  }
0x30: {  	s3 =	sld [smem:$0x3FB0]  }
0x31: {  	[smem:$0x3FB9] =	sst s10  }
0x32: {  	s10 =	sld [smem:$0x3FB7];
	_ =	sdelay $0x3  }
0x33: {  	p0 =	seq.s32 s10, $0x1;
	s10 =	sld [smem:$0x3FB9];
	_ =	sdelay $0x3  }
0x34: {  	[smem:$0x3FB9] =	sst s10  }
0x35: {  	s10 =	sld [smem:$0x3FB8];
	_ =	sdelay $0x3  }
0x36: {  	p1 =	seq.s32 s10, $0x1;
	s10 =	sld [smem:$0x3FB9];
	_ =	sdelay $0x3  }
0x37: {  	[smem:$0x3FB9] =	sst s10  }
0x38: {  	s10 =	sld [smem:$0x3FBA]  }
0x39: {  	_ = 	snop;
	(pc) =	sbr.ind lr, $3  }
0x3a: {  	_ = 	snop  }
0x3b: {  	_ = 	snop  }
0x3c: {  	p2 =	seq.s32 s10, $0x1;
	s10 =	sld [smem:$0x3FB9]  }
0x3d: {  	_ =	shalt  }
0x3e: {  	_ =	shalt  }
0x3f: {  	_ =	shalt  }
0x40: {  	_ =	shalt  }
0x41: {  	_ =	shalt  }
0x42: {  	_ =	shalt  }
0x43: {  	_ =	shalt  }
0x44: {  	_ =	shalt  }
0x45: {  	_ =	shalt  }
0x46: {  	_ =	shalt  }
0x47: {  	_ =	shalt  }
0x48: {  	_ =	shalt  }
0x49: {  	_ =	shalt  }
0x4a: {  	_ =	shalt  }
0x4b: {  	_ =	shalt  }
0x4c: {  	_ =	shalt  }
0x4d: {  	_ =	shalt  }
0x4e: {  	_ =	shalt  }
0x4f: {  	_ =	shalt  }
0x50: {  	_ =	shalt  }
0x51: {  	_ =	shalt  }
0x52: {  	_ =	shalt  }
0x53: {  	_ =	shalt  }
0x54: {  	_ =	shalt  }
0x55: {  	_ =	shalt  }
0x56: {  	_ =	shalt  }
0x57: {  	_ =	shalt  }
0x58: {  	_ =	shalt  }
0x59: {  	_ =	shalt  }
0x5a: {  	_ =	shalt  }
0x5b: {  	_ =	shalt  }
0x5c: {  	_ =	shalt  }
0x5d: {  	_ =	shalt  }
0x5e: {  	_ =	shalt  }
0x5f: {  	_ =	shalt  }
0x60: {  	_ =	shalt  }
0x61: {  	_ =	shalt  }
0x62: {  	_ =	shalt  }
0x63: {  	_ =	shalt  }
0x64: {  	_ =	shalt  }
0x65: {  	_ =	shalt  }
0x66: {  	_ =	shalt  }
0x67: {  	_ =	shalt  }
0x68: {  	_ =	shalt  }
0x69: {  	_ =	shalt  }
0x6a: {  	_ =	shalt  }
0x6b: {  	_ =	shalt  }
0x6c: {  	_ =	shalt  }
0x6d: {  	_ =	shalt  }
0x6e: {  	_ =	shalt  }
0x6f: {  	_ =	shalt  }
0x70: {  	_ =	shalt  }
0x71: {  	_ =	shalt  }
0x72: {  	_ =	shalt  }
0x73: {  	_ =	shalt  }
0x74: {  	_ =	shalt  }
0x75: {  	_ =	shalt  }
0x76: {  	_ =	shalt  }
0x77: {  	_ =	shalt  }
0x78: {  	_ =	shalt  }
0x79: {  	_ =	shalt  }
0x7a: {  	_ =	shalt  }
0x7b: {  	_ =	shalt  }
0x7c: {  	_ =	shalt  }
0x7d: {  	_ =	shalt  }
0x7e: {  	_ =	shalt  }
0x7f: {  	_ =	shalt  }
0x80: {  	_ =	shalt  }
0x81: {  	_ =	shalt  }
0x82: {  	_ =	shalt  }
0x83: {  	_ =	shalt  }
0x84: {  	_ =	shalt  }
0x85: {  	_ =	shalt  }
0x86: {  	_ =	shalt  }
0x87: {  	_ =	shalt  }
.Lfunc_end0:
.L_simem_size_0:
called_computation_lowered:
.L_overlay_start_0:
0x88: {  	s2 =	sld [smem:$0x3FD9]  }
0x89: {  	s3 =	sld [smem:$0x3FFE];
	_ =	sdelay $0x1  }
0x8a: {  	s1 =	srdreg.scid  }
0x8b: {  	s0 =	sand.u32 $0x1, s1  }
0x8c: {  	s17 =	sshll.u32 s0, $0xA;
	s2 =	sadd.s32 s3, s2  }
0x8d: {  	s2 =	sadd.s32 s2, s17  }
0x8e: {  	[smem:$0x3FC5] =	sst s2  }
0x8f: {  	_ = 	snop  }
0x90: {  	s2 =	sld [smem:$0x3FC9]  }
0x91: {  	s18 =	sld [smem:$0x3FC7]  }
0x92: {  	s4 =	sld [smem:$0x3FD0];
	(tm) =	ssettm $0x1  }
0x93: {  	s5 =	sld [smem:$0x3FFB];
	_ =	sdelay $0x3  }
0x94: {  	_ =	strace s5  }
0x95: {  	s5 =	sld [smem:$0x3FFC];
	_ =	sdelay $0x3  }
0x96: {  	_ =	strace s5  }
0x97: {  	s5 =	sld [smem:$0x3FFD];
	_ =	sdelay $0x3  }
0x98: {  	_ =	strace s5  }
0x99: {  	_ =	strace $0x8FFFFFFF  }
0x9a: {  	s19 =	sld [smem:$0x3FDB];
	_ =	sdelay $0x1  }
0x9b: {  	s6 =	simm.s32 $_scs_section_size  }
0x9c: {  	s7 =	simm.s32 $_size__tile_overlayer_lowered;
	s8 =	simm.s32 $_tile_overlayer_lowered  }
0x9d: {  	s22 =	simm.s32 $0x1BFF;
	s21 =	sshll.u32 s8, $0x1;
	s5 =	sadd.s32 s6, s19  }
0x9e: {  	s9 =	simm.s32 $0x0;
	s20 =	sshll.u32 s7, $0x1;
	s7 =	sadd.s32 s21, s5  }
0x9f: {  	[timem:s9], [sflag:s22] =	dma.local [hbm:s7], s20  }
0xa0: {  	_ =	swait.ge [sflag:s22], s20  }
0xa1: {  	s6 =	ssub.s32 $0x0, s20;
	[sflag:s22] =	ssyncset.done $0x0  }
0xa2: {  	[sflag:s22] =	ssyncadd.s32 s6;
	_ =	sdelay $0x1  }
0xa3: {  	s23 =	simm.s32 $0x1B8B  }
0xa4: {  	_ =	swait.ge [sflag:s23], $0x1  }
0xa5: {  	[sflag:s23] =	ssyncset.done $0x0  }
0xa6: {  	s25 =	simm.s32 $0x1B8E;
	s24 =	sld [smem:$0x3FFE];
	[sflag:s23] =	ssyncadd.s32 $0xFFFFFFFF  }
0xa7: {  	s26 =	simm.s32 $execute0_lowered;
	[smem:$0x3FD2] =	sst s25  }
0xa8: {  	s7 =	sshll.u32 s26, $0x1;
	_ =	strace $0x80000046;
	[dreg:$0x1] =	wrdreg $0xFFFFFFFF  }
0xa9: {  	s28 =	simm.s32 $_size_execute0_lowered;
	s5 =	sadd.s32 s5, s7;
	[dreg:$0x0] =	wrdreg $0x0  }
0xaa: {  	s7 =	sshll.u32 s28, $0x1;
	[dreg:$0x2] =	wrdreg s5  }
0xab: {  	[dreg:$0x3] =	wrdreg s7  }
0xac: {  	[dreg:$0x4] =	wrdreg $0xC0  }
0xad: {  	_ =	task [dreg:s9], $0x5FFFF  }
0xae: {  	[dreg:$0x1] =	wrdreg $0xFFFFFFFF  }
0xaf: {  	[dreg:$0x0] =	wrdreg $0x60  }
0xb0: {  	[dreg:$0x2] =	wrdreg s2  }
0xb1: {  	[dreg:$0x3] =	wrdreg s24  }
0xb2: {  	[dreg:$0x4] =	wrdreg s18  }
0xb3: {  	[dreg:$0x5] =	wrdreg s4  }
0xb4: {  	[dreg:$0x6] =	wrdreg $0x9  }
0xb5: {  	_ =	task.clear_ibuf [dreg:s9], $0x7FFFF;
	_ =	strace $0x90000046  }
0xb6: {  	s29 =	simm.s32 $0x9;
	_ =	strace $0x80000048  }
0xb7: {  	_ =	swait.ge [sflag:s29], $0x1  }
0xb8: {  	[sflag:s29] =	ssyncadd.s32 $0xFFFFFFFF  }
0xb9: {  	_ =	strace $0x90000048  }
0xba: {  	_ =	sfence  }
0xbb: {  	s30 =	sld [smem:$0x0];
	_ =	sdelay $0x2  }
0xbc: {  	s31 =	sshll.u32 s1, $0xD;
	s1 =	sshrl.u32 s1, $0x2  }
0xbd: {  	s3 =	sand.u32 $0x4000, s31;
	s1 =	sadd.s32 s1, s30  }
0xbe: {  	s0 =	sor.u32 s3, s0;
	s1 =	sshll.u32 s1, $0x11  }
0xbf: {  	s0 =	sor.u32 s1, s0  }
0xc0: {  	s0 =	sadd.s32 $0x8F2B, s0  }
0xc1: {  	[sflag:s0] =	ssyncadd.remote.s32 $0x1  }
0xc2: {  	_ =	sfence.sel $0xFFFF  }
0xc3: {  	[dreg:$0x0] =	wrdreg $0xFFFFFFFF;
	(pc) =	sbr.abs _section_cstart, $3  }
0xc4: {  	[dreg:$0x1] =	wrdreg $0xFFFFFFFF  }
0xc5: {  	_ =	task.clear_ibuf [dreg:s9], $0x2FFFF;
	_ =	strace $0x9FFFFFFF  }
0xc6: {  	(tm) =	ssettm $0x7FFFFFFF  }
0xc7: {  	_ =	shalt  }
tec
execute0_lowered:
.L_overlay_start_1:
0x0: {  	(tag) =	ssettag $0x1  }
0x1: {  	s1 =	rddreg [dreg:$0x0]  }
0x2: {  	s0 =	rddreg [dreg:$0x1]  }
0x3: {  	s2 =	srdreg.scid;
	s3 =	rddreg [dreg:$0x2]  }
0x4: {  	s5 =	stileid.u32;
	s4 =	rddreg [dreg:$0x3];
	s23 =	simm.s32 $0x2400  }
0x5: {  	s29 =	simm.s32 $0x4400;
	s19 =	simm.s32 $0x6400;
	s28 =	simm.s32 $0x2  }
0x6: {  	s30 =	simm.s32 $0x6;
	s31 =	simm.s32 $0x3;
	s14 =	simm.s32 $0x0  }
0x7: {  	s2 =	sand.u32 $0x1, s2;
	s6 =	sshll.u32 s5, $0xB;
	s5 =	simm.s32 $0x0  }
0x8: {  	s9 =	sadd.s32 $0x100, s3;
	s10 =	sadd.s32 $0x200, s3;
	s12 =	sadd.s32 $0x300, s3  }
0x9: {  	s7 =	sshll.u32 s2, $0xA;
	[smem:$0x7FF] =	sst s5;
	s2 =	ssub.s32 $0x2, s2  }
0xa: {  	s6 =	sor.u32 s7, s6;
	_ =	strace $0x80000047;
	s8 =	sshrl.u32 s2, $0x1  }
0xb: {  	s7 =	sshrl.u32 s6, $0x3;
	s2 =	ssub.s32 s2, s8;
	s24 =	sshll.u32 s6, $0x7  }
0xc: {  	s0 =	sadd.s32 s7, s0;
	s25 =	sadd.s32 s1, s24;
	s15 =	sadd.s32 s4, s24  }
0xd: {  	s26 =	smax.u32 s2, $0x1;
	s24 =	simm.s32 $0xE400;
	[dreg:$0x6] =	wrdreg s25  }
0xe: {  	s2 =	simm.s32 $0x7;
	s0 =	sadd.s32 $0x400, s0;
	[dreg:$0x9] =	wrdreg s26  }
0xf: {  	v0 =	vlaneseq.u32;
	s11 =	sadd.s32 $0x400, s25;
	s8 =	sadd.s32 $0x800, s25;
	[dreg:$0x5] =	wrdreg s0  }
0x10: {  	v1 =	vshrl.u32 v0, $0x3;
	s25 =	simm.s32 $0x1;
	s26 =	simm.s32 $0x5;
	[dreg:$0x7] =	wrdreg s11  }
0x11: {  	vm0 =	vmmov $0xffff;
	v0 =	vand.u32 $0x7, v0;
	v1 =	vmul.u32 $0x8, v1;
	[dreg:$0x8] =	wrdreg s8;
	s0 =	simm.s32 $0x4;
	s8 =	simm.s32 $0x8  }
.LBB2_1:
0x12: {  	[dreg:$0xa] =	wrdreg s14  }
0x13: {  	s11 =	rddreg [dreg:$0x5];
	s13 =	simm.s32 $0xD  }
0x14: {  	[tilespmem:s5], [sflag:$0xD] =	stream.linear.gather [hbm4b:s11+s5], $0x400, $0x38;
	[tilespmem:$0x10400] =	vst v63  }
0x15: {  	_ =	swait.ge [sflag:s13], $0x400  }
0x16: {  	[sflag:s13] =	ssyncset.done $0x0  }
0x17: {  	[sflag:s13] =	ssyncadd.s32 $0xFFFFFC00  }
0x18: {  	v2 =	vld.msk [tilespmem:$0x0], $0xff;
	_ =	sdelay $0x4  }
0x19: {  	v3 =	vshll.u32 v2, $0x3  }
0x1a: {  	v2 =	vand.u32 $0x7, v2;
	v3 =	vand.u32 $0xFFFFFFC0, v3  }
0x1b: {  	v2 =	vor.u32 v2, v3  }
0x1c: {  	v2 =	vperm.xlane v2, v0;
	_ =	sdelay $0x1  }
0x1d: {  	v2 =	vadd.s32 v1, v2;
	_ =	sdelay $0x3  }
0x1e: {  	s14 =	simm.s32 $0x400  }
0x1f: {  	[tilespmem:s14], [sflag:$0x1] =	stream.indirect_vreg.gather [hbm4b:s3+s5], $0x80, v2, vm0, $0xb8;
	[tilespmem:$0x10400] =	vst v63  }
0x20: {  	s16 =	simm.s32 $0xC00  }
0x21: {  	[tilespmem:s16], [sflag:$0x1] =	stream.indirect_vreg.gather [hbm4b:s9+s5], $0x80, v2, vm0, $0xb8;
	[tilespmem:$0x10400] =	vst v63  }
0x22: {  	s17 =	simm.s32 $0x1400  }
0x23: {  	[tilespmem:s17], [sflag:$0x1] =	stream.indirect_vreg.gather [hbm4b:s10+s5], $0x80, v2, vm0, $0xb8;
	[tilespmem:$0x10400] =	vst v63  }
0x24: {  	s18 =	simm.s32 $0x1C00  }
0x25: {  	[tilespmem:s18], [sflag:$0x1] =	stream.indirect_vreg.gather [hbm4b:s12+s5], $0x80, v2, vm0, $0xb8;
	[tilespmem:$0x10400] =	vst v63  }
0x26: {  	s20 =	rddreg [dreg:$0x6];
	s13 =	simm.s32 $0x8400  }
0x27: {  	[tilespmem:s13], [sflag:$0x5] =	stream.linear.gather [hbm4b:s20+s5], $0x2000, $0x38;
	[tilespmem:$0x10400] =	vst v63  }
0x28: {  	v2 =	vld.msk [tilespmem:$0x8], $0xff;
	_ =	sdelay $0x4  }
0x29: {  	v3 =	vshll.u32 v2, $0x3  }
0x2a: {  	v2 =	vand.u32 $0x7, v2;
	v3 =	vand.u32 $0xFFFFFFC0, v3  }
0x2b: {  	v2 =	vor.u32 v2, v3  }
0x2c: {  	v2 =	vperm.xlane v2, v0;
	_ =	sdelay $0x1  }
0x2d: {  	v2 =	vadd.s32 v1, v2;
	_ =	sdelay $0x4  }
0x2e: {  	[tilespmem:s23], [sflag:$0x2] =	stream.indirect_vreg.gather [hbm4b:s3+s5], $0x80, v2, vm0, $0xb8;
	[tilespmem:$0x10400] =	vst v63  }
0x2f: {  	s21 =	simm.s32 $0x2C00  }
0x30: {  	[tilespmem:s21], [sflag:$0x2] =	stream.indirect_vreg.gather [hbm4b:s9+s5], $0x80, v2, vm0, $0xb8;
	[tilespmem:$0x10400] =	vst v63  }
0x31: {  	s22 =	simm.s32 $0x3400  }
0x32: {  	[tilespmem:s22], [sflag:$0x2] =	stream.indirect_vreg.gather [hbm4b:s10+s5], $0x80, v2, vm0, $0xb8;
	[tilespmem:$0x10400] =	vst v63  }
0x33: {  	s13 =	simm.s32 $0x3C00  }
0x34: {  	[tilespmem:s13], [sflag:$0x2] =	stream.indirect_vreg.gather [hbm4b:s12+s5], $0x80, v2, vm0, $0xb8;
	[tilespmem:$0x10400] =	vst v63  }
0x35: {  	s14 =	rddreg [dreg:$0x7];
	s16 =	simm.s32 $0xA400  }
0x36: {  	[tilespmem:s16], [sflag:$0x6] =	stream.linear.gather [hbm4b:s14+s5], $0x2000, $0x38;
	[tilespmem:$0x10400] =	vst v63  }
0x37: {  	v2 =	vld.msk [tilespmem:$0x10], $0xff;
	_ =	sdelay $0x4  }
0x38: {  	v3 =	vshll.u32 v2, $0x3  }
0x39: {  	v2 =	vand.u32 $0x7, v2;
	v3 =	vand.u32 $0xFFFFFFC0, v3  }
0x3a: {  	v2 =	vor.u32 v2, v3  }
0x3b: {  	v2 =	vperm.xlane v2, v0;
	_ =	sdelay $0x1  }
0x3c: {  	v2 =	vadd.s32 v1, v2;
	_ =	sdelay $0x4  }
0x3d: {  	[tilespmem:s29], [sflag:$0x3] =	stream.indirect_vreg.gather [hbm4b:s3+s5], $0x80, v2, vm0, $0xb8;
	[tilespmem:$0x10400] =	vst v63  }
0x3e: {  	s17 =	simm.s32 $0x4C00  }
0x3f: {  	[tilespmem:s17], [sflag:$0x3] =	stream.indirect_vreg.gather [hbm4b:s9+s5], $0x80, v2, vm0, $0xb8;
	[tilespmem:$0x10400] =	vst v63  }
0x40: {  	s18 =	simm.s32 $0x5400  }
0x41: {  	[tilespmem:s18], [sflag:$0x3] =	stream.indirect_vreg.gather [hbm4b:s10+s5], $0x80, v2, vm0, $0xb8;
	[tilespmem:$0x10400] =	vst v63  }
0x42: {  	s20 =	simm.s32 $0x5C00  }
0x43: {  	[tilespmem:s20], [sflag:$0x3] =	stream.indirect_vreg.gather [hbm4b:s12+s5], $0x80, v2, vm0, $0xb8;
	[tilespmem:$0x10400] =	vst v63  }
0x44: {  	s21 =	rddreg [dreg:$0x8];
	s22 =	simm.s32 $0xC400;
	s13 =	simm.s32 $0x0  }
0x45: {  	[tilespmem:s22], [sflag:$0x7] =	stream.linear.gather [hbm4b:s21+s5], $0x2000, $0x38;
	[tilespmem:$0x10400] =	vst v63  }
.LBB2_2:
0x46: {  	p0 =	seq.s32 s13, $0x0  }
0x47: {  	s11 =	simm.s32 @!p0 $0xC  }
0x48: {  	_ =	swait.ge @!p0 [sflag:s11], $0x2000  }
0x49: {  	s14 =	sshllo.u32 s13, $0x2;
	[sflag:s11] =	ssyncset.done @!p0 $0x0  }
0x4a: {  	s16 =	sshll.u32 s14, $0x3;
	[sflag:s11] =	ssyncadd.s32 @!p0 $0xFFFFE000  }
0x4b: {  	v2 =	vld.msk [tilespmem:s16+$0x0], $0xff;
	_ =	sdelay $0x4  }
0x4c: {  	v3 =	vshll.u32 v2, $0x3  }
0x4d: {  	v2 =	vand.u32 $0x7, v2;
	v3 =	vand.u32 $0xFFFFFFC0, v3  }
0x4e: {  	v2 =	vor.u32 v2, v3  }
0x4f: {  	v2 =	vperm.xlane v2, v0;
	_ =	sdelay $0x1  }
0x50: {  	v2 =	vadd.s32 v1, v2;
	_ =	sdelay $0x3  }
0x51: {  	s11 =	simm.s32 $0x0  }
0x52: {  	[tilespmem:s19], [sflag:$0x4] =	stream.indirect_vreg.gather [hbm4b:s3+s11], $0x80, v2, vm0, $0xb8;
	[tilespmem:$0x10400] =	vst v63  }
0x53: {  	s17 =	simm.s32 $0x6C00  }
0x54: {  	[tilespmem:s17], [sflag:$0x4] =	stream.indirect_vreg.gather [hbm4b:s9+s11], $0x80, v2, vm0, $0xb8;
	[tilespmem:$0x10400] =	vst v63  }
0x55: {  	s21 =	simm.s32 $0x7400;
	s16 =	sadd.s32 s6, s16  }
0x56: {  	[tilespmem:s21], [sflag:$0x4] =	stream.indirect_vreg.gather [hbm4b:s10+s11], $0x80, v2, vm0, $0xb8;
	[tilespmem:$0x10400] =	vst v63  }
0x57: {  	s22 =	simm.s32 $0x7C00;
	s16 =	sshll.u32 s16, $0x7  }
0x58: {  	[tilespmem:s22], [sflag:$0x4] =	stream.indirect_vreg.gather [hbm4b:s12+s11], $0x80, v2, vm0, $0xb8;
	[tilespmem:$0x10400] =	vst v63  }
0x59: {  	s16 =	sadd.s32 s1, s16  }
0x5a: {  	[tilespmem:s24], [sflag:$0x8] =	stream.linear.gather [hbm4b:s16+s11], $0x2000, $0x38;
	[tilespmem:$0x10400] =	vst v63  }
0x5b: {  	_ =	swait.ge [sflag:s25], $0x2000  }
0x5c: {  	[sflag:s25] =	ssyncset.done $0x0  }
0x5d: {  	[sflag:s25] =	ssyncadd.s32 $0xFFFFE000  }
0x5e: {  	_ =	swait.ge [sflag:s26], $0x2000  }
0x5f: {  	[sflag:s26] =	ssyncset.done $0x0  }
0x60: {  	s16 =	simm.s32 $0x0;
	[sflag:s26] =	ssyncadd.s32 $0xFFFFE000  }
.LBB2_3:
0x61: {  	s17 =	sshra.s32 s11, $0x2  }
0x62: {  	v2 =	vld [tilespmem:s17+$0x8470]  }
0x63: {  	v3 =	vld [tilespmem:s17+$0x8400]  }
0x64: {  	v4 =	vld [tilespmem:s17+$0x8410]  }
0x65: {  	v5 =	vld [tilespmem:s17+$0x8420]  }
0x66: {  	v6 =	vld [tilespmem:s17+$0x8430]  }
0x67: {  	v7 =	vld [tilespmem:s17+$0x8440]  }
0x68: {  	v8 =	vld [tilespmem:s17+$0x8450]  }
0x69: {  	[tilespmem:s17+$0x470] =	vst.add.f32.msk $0xffff, v2  }
0x6a: {  	v2 =	vld [tilespmem:s17+$0x8460]  }
0x6b: {  	[tilespmem:s17+$0x400] =	vst.add.f32.msk $0xffff, v3  }
0x6c: {  	[tilespmem:s17+$0x410] =	vst.add.f32.msk $0xffff, v4  }
0x6d: {  	[tilespmem:s17+$0x420] =	vst.add.f32.msk $0xffff, v5  }
0x6e: {  	[tilespmem:s17+$0x430] =	vst.add.f32.msk $0xffff, v6  }
0x6f: {  	[tilespmem:s17+$0x440] =	vst.add.f32.msk $0xffff, v7  }
0x70: {  	s18 =	simm.s32 $0x0;
	s20 =	sadd.s32 $0x1000, s11;
	[tilespmem:s17+$0x450] =	vst.add.f32.msk $0xffff, v8  }
.LBB2_4:
0x71: {  	s18 =	sadd.s32 $0x8, s18;
	[tilespmem:s17+$0x460] =	vst.add.f32.msk $0xffff, v2;
	s17 =	sshra.s32 s20, $0x2  }
0x72: {  	v2 =	vld [tilespmem:s17+$0x8470];
	p0 =	slt.u32 s18, $0x38  }
0x73: {  	v3 =	vld [tilespmem:s17+$0x8400]  }
0x74: {  	v4 =	vld [tilespmem:s17+$0x8410]  }
0x75: {  	v5 =	vld [tilespmem:s17+$0x8420]  }
0x76: {  	v6 =	vld [tilespmem:s17+$0x8430]  }
0x77: {  	[tilespmem:s17+$0x470] =	vst.add.f32.msk $0xffff, v2  }
0x78: {  	v7 =	vld [tilespmem:s17+$0x8440]  }
0x79: {  	v8 =	vld [tilespmem:s17+$0x8450]  }
0x7a: {  	v2 =	vld [tilespmem:s17+$0x8460]  }
0x7b: {  	[tilespmem:s17+$0x400] =	vst.add.f32.msk $0xffff, v3  }
.Ltmp0:
0x7c: {  	[tilespmem:s17+$0x410] =	vst.add.f32.msk $0xffff, v4;
	(pc) =	sbr.rel @p0 .LBB2_4-.Ltmp0, $4  }
0x7d: {  	[tilespmem:s17+$0x420] =	vst.add.f32.msk $0xffff, v5  }
0x7e: {  	[tilespmem:s17+$0x430] =	vst.add.f32.msk $0xffff, v6  }
0x7f: {  	[tilespmem:s17+$0x440] =	vst.add.f32.msk $0xffff, v7  }
0x80: {  	s20 =	sadd.s32 $0x1000, s20;
	[tilespmem:s17+$0x450] =	vst.add.f32.msk $0xffff, v8  }
0x81: {  	s16 =	sadd.s32 $0x1, s16  }
0x82: {  	p0 =	sne.s32 s16, $0x8  }
.Ltmp1:
0x83: {  	_ = 	snop;
	(pc) =	sbr.rel @p0 .LBB2_3-.Ltmp1, $2  }
0x84: {  	_ =	sdelay $0x2  }
0x85: {  	[tilespmem:s17+$0x460] =	vst.add.f32.msk $0xffff, v2;
	s11 =	sadd.s32 $0x200, s11  }
0x86: {  	s11 =	sshll.u32 s13, $0xC  }
0x87: {  	s16 =	simm.s32 $0x400;
	p0 =	seq.s32 s13, $0x1F;
	s11 =	sadd.s32 s11, s15  }
0x88: {  	[hbm4b:s11+s5] =	stream.linear.scatter [tilespmem:s16], [sflag:$0x9], $0x2000, $0x38;
	[tilespmem:$0x10400] =	vst v63  }
0x89: {  	s11 =	simm.s32 @!p0 $0x9  }
0x8a: {  	_ =	swait.ge @!p0 [sflag:s11], $0x2000  }
0x8b: {  	[sflag:s11] =	ssyncset.done @!p0 $0x0  }
0x8c: {  	[sflag:s11] =	ssyncadd.s32 @!p0 $0xFFFFE000;
	s11 =	sshll.u32 @!p0 s13, $0x5  }
0x8d: {  	v2 =	vld.msk @!p0 [tilespmem:s11+$0x20], $0xff;
	_ =	sdelay $0x4  }
0x8e: {  	v3 =	vshll.u32 @!p0 v2, $0x3  }
0x8f: {  	v4 =	vlaneseq.u32 @!p0;
	v2 =	vand.u32 @!p0 $0x7, v2;
	v3 =	vand.u32 @!p0 $0xFFFFFFC0, v3  }
0x90: {  	v2 =	vor.u32 @!p0 v2, v3;
	v3 =	vand.u32 @!p0 $0x7, v4;
	v4 =	vshrl.u32 @!p0 v4, $0x3  }
0x91: {  	v2 =	vperm.xlane @!p0 v2, v3;
	v3 =	vmul.u32 @!p0 $0x8, v4;
	_ =	sdelay $0x1  }
0x92: {  	v2 =	vadd.s32 @!p0 v3, v2;
	_ =	sdelay $0x3  }
0x93: {  	vm1 =	vmmov @!p0 $0xffff;
	s17 =	simm.s32 @!p0 $0x400;
	s16 =	simm.s32 @!p0 $0x0  }
0x94: {  	[tilespmem:s17], [sflag:$0x1] =	stream.indirect_vreg.gather @!p0 [hbm4b:s3+s16], $0x80, v2, vm1, $0xb8;
	[tilespmem:$0x10400] =	vst v63  }
0x95: {  	s11 =	sadd.s32 @!p0 $0x20, s11;
	s17 =	simm.s32 @!p0 $0xC00  }
0x96: {  	[tilespmem:s17], [sflag:$0x1] =	stream.indirect_vreg.gather @!p0 [hbm4b:s9+s16], $0x80, v2, vm1, $0xb8;
	[tilespmem:$0x10400] =	vst v63  }
0x97: {  	s11 =	sadd.s32 @!p0 s6, s11;
	s17 =	simm.s32 @!p0 $0x1400  }
0x98: {  	[tilespmem:s17], [sflag:$0x1] =	stream.indirect_vreg.gather @!p0 [hbm4b:s10+s16], $0x80, v2, vm1, $0xb8;
	[tilespmem:$0x10400] =	vst v63  }
0x99: {  	s11 =	sshll.u32 @!p0 s11, $0x7;
	s17 =	simm.s32 @!p0 $0x1C00  }
0x9a: {  	[tilespmem:s17], [sflag:$0x1] =	stream.indirect_vreg.gather @!p0 [hbm4b:s12+s16], $0x80, v2, vm1, $0xb8;
	[tilespmem:$0x10400] =	vst v63  }
0x9b: {  	s11 =	sadd.s32 @!p0 s1, s11;
	s17 =	simm.s32 @!p0 $0x8400  }
0x9c: {  	[tilespmem:s17], [sflag:$0x5] =	stream.linear.gather @!p0 [hbm4b:s11+s16], $0x2000, $0x38;
	[tilespmem:$0x10400] =	vst v63  }
0x9d: {  	_ =	swait.ge [sflag:s28], $0x2000  }
0x9e: {  	[sflag:s28] =	ssyncset.done $0x0  }
0x9f: {  	[sflag:s28] =	ssyncadd.s32 $0xFFFFE000  }
0xa0: {  	_ =	swait.ge [sflag:s30], $0x2000  }
0xa1: {  	[sflag:s30] =	ssyncset.done $0x0  }
0xa2: {  	s11 =	simm.s32 $0x0;
	s16 =	simm.s32 $0x0;
	[sflag:s30] =	ssyncadd.s32 $0xFFFFE000  }
.LBB2_7:
0xa3: {  	s17 =	sshra.s32 s11, $0x2  }
0xa4: {  	v2 =	vld [tilespmem:s17+$0xA470]  }
0xa5: {  	v3 =	vld [tilespmem:s17+$0xA400]  }
0xa6: {  	v4 =	vld [tilespmem:s17+$0xA410]  }
0xa7: {  	v5 =	vld [tilespmem:s17+$0xA420]  }
0xa8: {  	v6 =	vld [tilespmem:s17+$0xA430]  }
0xa9: {  	v7 =	vld [tilespmem:s17+$0xA440]  }
0xaa: {  	v8 =	vld [tilespmem:s17+$0xA450]  }
0xab: {  	[tilespmem:s17+$0x2470] =	vst.add.f32.msk $0xffff, v2  }
0xac: {  	v2 =	vld [tilespmem:s17+$0xA460]  }
0xad: {  	[tilespmem:s17+$0x2400] =	vst.add.f32.msk $0xffff, v3  }
0xae: {  	[tilespmem:s17+$0x2410] =	vst.add.f32.msk $0xffff, v4  }
0xaf: {  	[tilespmem:s17+$0x2420] =	vst.add.f32.msk $0xffff, v5  }
0xb0: {  	[tilespmem:s17+$0x2430] =	vst.add.f32.msk $0xffff, v6  }
0xb1: {  	[tilespmem:s17+$0x2440] =	vst.add.f32.msk $0xffff, v7  }
0xb2: {  	s18 =	simm.s32 $0x0;
	s20 =	sadd.s32 $0x1000, s11;
	[tilespmem:s17+$0x2450] =	vst.add.f32.msk $0xffff, v8  }
.LBB2_8:
0xb3: {  	s18 =	sadd.s32 $0x8, s18;
	[tilespmem:s17+$0x2460] =	vst.add.f32.msk $0xffff, v2;
	s17 =	sshra.s32 s20, $0x2  }
0xb4: {  	v2 =	vld [tilespmem:s17+$0xA470];
	p1 =	slt.u32 s18, $0x38  }
0xb5: {  	v3 =	vld [tilespmem:s17+$0xA400]  }
0xb6: {  	v4 =	vld [tilespmem:s17+$0xA410]  }
0xb7: {  	v5 =	vld [tilespmem:s17+$0xA420]  }
0xb8: {  	v6 =	vld [tilespmem:s17+$0xA430]  }
0xb9: {  	[tilespmem:s17+$0x2470] =	vst.add.f32.msk $0xffff, v2  }
0xba: {  	v7 =	vld [tilespmem:s17+$0xA440]  }
0xbb: {  	v8 =	vld [tilespmem:s17+$0xA450]  }
0xbc: {  	v2 =	vld [tilespmem:s17+$0xA460]  }
0xbd: {  	[tilespmem:s17+$0x2400] =	vst.add.f32.msk $0xffff, v3  }
.Ltmp2:
0xbe: {  	[tilespmem:s17+$0x2410] =	vst.add.f32.msk $0xffff, v4;
	(pc) =	sbr.rel @p1 .LBB2_8-.Ltmp2, $4  }
0xbf: {  	[tilespmem:s17+$0x2420] =	vst.add.f32.msk $0xffff, v5  }
0xc0: {  	[tilespmem:s17+$0x2430] =	vst.add.f32.msk $0xffff, v6  }
0xc1: {  	[tilespmem:s17+$0x2440] =	vst.add.f32.msk $0xffff, v7  }
0xc2: {  	s20 =	sadd.s32 $0x1000, s20;
	[tilespmem:s17+$0x2450] =	vst.add.f32.msk $0xffff, v8  }
0xc3: {  	s16 =	sadd.s32 $0x1, s16  }
0xc4: {  	p1 =	sne.s32 s16, $0x8  }
.Ltmp3:
0xc5: {  	_ = 	snop;
	(pc) =	sbr.rel @p1 .LBB2_7-.Ltmp3, $2  }
0xc6: {  	_ =	sdelay $0x2  }
0xc7: {  	[tilespmem:s17+$0x2460] =	vst.add.f32.msk $0xffff, v2;
	s11 =	sadd.s32 $0x200, s11  }
0xc8: {  	s16 =	sshll.u32 s13, $0x5  }
0xc9: {  	s11 =	sadd.s32 s16, s6  }
0xca: {  	s11 =	sshll.u32 s11, $0x7  }
0xcb: {  	s11 =	sadd.s32 s4, s11  }
0xcc: {  	s17 =	sadd.s32 $0x400, s11  }
0xcd: {  	[hbm4b:s17+s5] =	stream.linear.scatter [tilespmem:s23], [sflag:$0xA], $0x2000, $0x38;
	[tilespmem:$0x10400] =	vst v63  }
0xce: {  	s17 =	simm.s32 @!p0 $0xA  }
0xcf: {  	_ =	swait.ge @!p0 [sflag:s17], $0x2000  }
0xd0: {  	[sflag:s17] =	ssyncset.done @!p0 $0x0  }
0xd1: {  	[sflag:s17] =	ssyncadd.s32 @!p0 $0xFFFFE000  }
0xd2: {  	v2 =	vld.msk @!p0 [tilespmem:s16+$0x28], $0xff;
	_ =	sdelay $0x4  }
0xd3: {  	v3 =	vshll.u32 @!p0 v2, $0x3  }
0xd4: {  	v4 =	vlaneseq.u32 @!p0;
	v2 =	vand.u32 @!p0 $0x7, v2;
	v3 =	vand.u32 @!p0 $0xFFFFFFC0, v3  }
0xd5: {  	v2 =	vor.u32 @!p0 v2, v3;
	v3 =	vand.u32 @!p0 $0x7, v4;
	v4 =	vshrl.u32 @!p0 v4, $0x3  }
0xd6: {  	v2 =	vperm.xlane @!p0 v2, v3;
	v3 =	vmul.u32 @!p0 $0x8, v4;
	_ =	sdelay $0x1  }
0xd7: {  	v2 =	vadd.s32 @!p0 v3, v2;
	_ =	sdelay $0x3  }
0xd8: {  	s18 =	simm.s32 @!p0 $0x2400;
	s17 =	simm.s32 @!p0 $0x0  }
0xd9: {  	[tilespmem:s18], [sflag:$0x2] =	stream.indirect_vreg.gather @!p0 [hbm4b:s3+s17], $0x80, v2, vm1, $0xb8;
	[tilespmem:$0x10400] =	vst v63  }
0xda: {  	s18 =	simm.s32 @!p0 $0x2C00  }
0xdb: {  	[tilespmem:s18], [sflag:$0x2] =	stream.indirect_vreg.gather @!p0 [hbm4b:s9+s17], $0x80, v2, vm1, $0xb8;
	[tilespmem:$0x10400] =	vst v63  }
0xdc: {  	s18 =	simm.s32 @!p0 $0x3400  }
0xdd: {  	[tilespmem:s18], [sflag:$0x2] =	stream.indirect_vreg.gather @!p0 [hbm4b:s10+s17], $0x80, v2, vm1, $0xb8;
	[tilespmem:$0x10400] =	vst v63  }
0xde: {  	s18 =	sadd.s32 @!p0 $0x28, s16  }
0xdf: {  	s20 =	simm.s32 @!p0 $0x3C00;
	s18 =	sadd.s32 @!p0 s6, s18  }
0xe0: {  	[tilespmem:s20], [sflag:$0x2] =	stream.indirect_vreg.gather @!p0 [hbm4b:s12+s17], $0x80, v2, vm1, $0xb8;
	[tilespmem:$0x10400] =	vst v63  }
0xe1: {  	s18 =	sshll.u32 @!p0 s18, $0x7  }
0xe2: {  	s20 =	simm.s32 @!p0 $0xA400;
	s18 =	sadd.s32 @!p0 s1, s18  }
0xe3: {  	[tilespmem:s20], [sflag:$0x6] =	stream.linear.gather @!p0 [hbm4b:s18+s17], $0x2000, $0x38;
	[tilespmem:$0x10400] =	vst v63  }
0xe4: {  	_ =	swait.ge [sflag:s31], $0x2000  }
0xe5: {  	[sflag:s31] =	ssyncset.done $0x0  }
0xe6: {  	[sflag:s31] =	ssyncadd.s32 $0xFFFFE000  }
0xe7: {  	_ =	swait.ge [sflag:s2], $0x2000  }
0xe8: {  	[sflag:s2] =	ssyncset.done $0x0  }
0xe9: {  	s17 =	simm.s32 $0x0;
	s20 =	simm.s32 $0x0;
	[sflag:s2] =	ssyncadd.s32 $0xFFFFE000  }
.LBB2_11:
0xea: {  	s18 =	sshra.s32 s17, $0x2  }
0xeb: {  	v2 =	vld [tilespmem:s18+$0xC470]  }
0xec: {  	v3 =	vld [tilespmem:s18+$0xC400]  }
0xed: {  	v4 =	vld [tilespmem:s18+$0xC410]  }
0xee: {  	v5 =	vld [tilespmem:s18+$0xC420]  }
0xef: {  	v6 =	vld [tilespmem:s18+$0xC430]  }
0xf0: {  	v7 =	vld [tilespmem:s18+$0xC440]  }
0xf1: {  	v8 =	vld [tilespmem:s18+$0xC450]  }
0xf2: {  	[tilespmem:s18+$0x4470] =	vst.add.f32.msk $0xffff, v2  }
0xf3: {  	v2 =	vld [tilespmem:s18+$0xC460]  }
0xf4: {  	[tilespmem:s18+$0x4400] =	vst.add.f32.msk $0xffff, v3  }
0xf5: {  	[tilespmem:s18+$0x4410] =	vst.add.f32.msk $0xffff, v4  }
0xf6: {  	[tilespmem:s18+$0x4420] =	vst.add.f32.msk $0xffff, v5  }
0xf7: {  	[tilespmem:s18+$0x4430] =	vst.add.f32.msk $0xffff, v6  }
0xf8: {  	[tilespmem:s18+$0x4440] =	vst.add.f32.msk $0xffff, v7  }
0xf9: {  	s21 =	simm.s32 $0x0;
	s22 =	sadd.s32 $0x1000, s17;
	[tilespmem:s18+$0x4450] =	vst.add.f32.msk $0xffff, v8  }
.LBB2_12:
0xfa: {  	s21 =	sadd.s32 $0x8, s21;
	[tilespmem:s18+$0x4460] =	vst.add.f32.msk $0xffff, v2;
	s18 =	sshra.s32 s22, $0x2  }
0xfb: {  	v2 =	vld [tilespmem:s18+$0xC470];
	p1 =	slt.u32 s21, $0x38  }
0xfc: {  	v3 =	vld [tilespmem:s18+$0xC400]  }
0xfd: {  	v4 =	vld [tilespmem:s18+$0xC410]  }
0xfe: {  	v5 =	vld [tilespmem:s18+$0xC420]  }
0xff: {  	v6 =	vld [tilespmem:s18+$0xC430]  }
0x100: {  	[tilespmem:s18+$0x4470] =	vst.add.f32.msk $0xffff, v2  }
0x101: {  	v7 =	vld [tilespmem:s18+$0xC440]  }
0x102: {  	v8 =	vld [tilespmem:s18+$0xC450]  }
0x103: {  	v2 =	vld [tilespmem:s18+$0xC460]  }
0x104: {  	[tilespmem:s18+$0x4400] =	vst.add.f32.msk $0xffff, v3  }
.Ltmp4:
0x105: {  	[tilespmem:s18+$0x4410] =	vst.add.f32.msk $0xffff, v4;
	(pc) =	sbr.rel @p1 .LBB2_12-.Ltmp4, $4  }
0x106: {  	[tilespmem:s18+$0x4420] =	vst.add.f32.msk $0xffff, v5  }
0x107: {  	[tilespmem:s18+$0x4430] =	vst.add.f32.msk $0xffff, v6  }
0x108: {  	[tilespmem:s18+$0x4440] =	vst.add.f32.msk $0xffff, v7  }
0x109: {  	s22 =	sadd.s32 $0x1000, s22;
	[tilespmem:s18+$0x4450] =	vst.add.f32.msk $0xffff, v8  }
0x10a: {  	s20 =	sadd.s32 $0x1, s20  }
0x10b: {  	p1 =	sne.s32 s20, $0x8  }
.Ltmp5:
0x10c: {  	_ = 	snop;
	(pc) =	sbr.rel @p1 .LBB2_11-.Ltmp5, $2  }
0x10d: {  	_ =	sdelay $0x2  }
0x10e: {  	[tilespmem:s18+$0x4460] =	vst.add.f32.msk $0xffff, v2;
	s17 =	sadd.s32 $0x200, s17  }
0x10f: {  	s11 =	sadd.s32 $0x800, s11  }
0x110: {  	[hbm4b:s11+s5] =	stream.linear.scatter [tilespmem:s29], [sflag:$0xB], $0x2000, $0x38;
	[tilespmem:$0x10400] =	vst v63  }
0x111: {  	s11 =	simm.s32 @!p0 $0xB  }
0x112: {  	_ =	swait.ge @!p0 [sflag:s11], $0x2000  }
0x113: {  	[sflag:s11] =	ssyncset.done @!p0 $0x0  }
0x114: {  	[sflag:s11] =	ssyncadd.s32 @!p0 $0xFFFFE000  }
0x115: {  	v2 =	vld.msk @!p0 [tilespmem:s16+$0x30], $0xff;
	_ =	sdelay $0x4  }
0x116: {  	v3 =	vshll.u32 @!p0 v2, $0x3  }
0x117: {  	v4 =	vlaneseq.u32 @!p0;
	v2 =	vand.u32 @!p0 $0x7, v2;
	v3 =	vand.u32 @!p0 $0xFFFFFFC0, v3  }
0x118: {  	v2 =	vor.u32 @!p0 v2, v3;
	v3 =	vand.u32 @!p0 $0x7, v4;
	v4 =	vshrl.u32 @!p0 v4, $0x3  }
0x119: {  	v2 =	vperm.xlane @!p0 v2, v3;
	v3 =	vmul.u32 @!p0 $0x8, v4;
	_ =	sdelay $0x1  }
0x11a: {  	v2 =	vadd.s32 @!p0 v3, v2;
	_ =	sdelay $0x3  }
0x11b: {  	s17 =	simm.s32 @!p0 $0x4400;
	s11 =	simm.s32 @!p0 $0x0  }
0x11c: {  	[tilespmem:s17], [sflag:$0x3] =	stream.indirect_vreg.gather @!p0 [hbm4b:s3+s11], $0x80, v2, vm1, $0xb8;
	[tilespmem:$0x10400] =	vst v63  }
0x11d: {  	s16 =	sadd.s32 @!p0 $0x30, s16;
	s17 =	simm.s32 @!p0 $0x4C00  }
0x11e: {  	[tilespmem:s17], [sflag:$0x3] =	stream.indirect_vreg.gather @!p0 [hbm4b:s9+s11], $0x80, v2, vm1, $0xb8;
	[tilespmem:$0x10400] =	vst v63  }
0x11f: {  	s16 =	sadd.s32 @!p0 s6, s16;
	s17 =	simm.s32 @!p0 $0x5400  }
0x120: {  	[tilespmem:s17], [sflag:$0x3] =	stream.indirect_vreg.gather @!p0 [hbm4b:s10+s11], $0x80, v2, vm1, $0xb8;
	[tilespmem:$0x10400] =	vst v63  }
0x121: {  	s16 =	sshll.u32 @!p0 s16, $0x7;
	s17 =	simm.s32 @!p0 $0x5C00  }
0x122: {  	[tilespmem:s17], [sflag:$0x3] =	stream.indirect_vreg.gather @!p0 [hbm4b:s12+s11], $0x80, v2, vm1, $0xb8;
	[tilespmem:$0x10400] =	vst v63  }
0x123: {  	s16 =	sadd.s32 @!p0 s1, s16;
	s17 =	simm.s32 @!p0 $0xC400  }
0x124: {  	[tilespmem:s17], [sflag:$0x7] =	stream.linear.gather @!p0 [hbm4b:s16+s11], $0x2000, $0x38;
	[tilespmem:$0x10400] =	vst v63  }
0x125: {  	_ =	swait.ge [sflag:s0], $0x2000  }
0x126: {  	[sflag:s0] =	ssyncset.done $0x0  }
0x127: {  	[sflag:s0] =	ssyncadd.s32 $0xFFFFE000  }
0x128: {  	_ =	swait.ge [sflag:s8], $0x2000  }
0x129: {  	[sflag:s8] =	ssyncset.done $0x0  }
0x12a: {  	s11 =	simm.s32 $0x0;
	s16 =	simm.s32 $0x0;
	[sflag:s8] =	ssyncadd.s32 $0xFFFFE000  }
.LBB2_15:
0x12b: {  	s17 =	sshra.s32 s11, $0x2  }
0x12c: {  	v2 =	vld [tilespmem:s17+$0xE470]  }
0x12d: {  	v3 =	vld [tilespmem:s17+$0xE400]  }
0x12e: {  	v4 =	vld [tilespmem:s17+$0xE410]  }
0x12f: {  	v5 =	vld [tilespmem:s17+$0xE420]  }
0x130: {  	v6 =	vld [tilespmem:s17+$0xE430]  }
0x131: {  	v7 =	vld [tilespmem:s17+$0xE440]  }
0x132: {  	v8 =	vld [tilespmem:s17+$0xE450]  }
0x133: {  	[tilespmem:s17+$0x6470] =	vst.add.f32.msk $0xffff, v2  }
0x134: {  	v2 =	vld [tilespmem:s17+$0xE460]  }
0x135: {  	[tilespmem:s17+$0x6400] =	vst.add.f32.msk $0xffff, v3  }
0x136: {  	[tilespmem:s17+$0x6410] =	vst.add.f32.msk $0xffff, v4  }
0x137: {  	[tilespmem:s17+$0x6420] =	vst.add.f32.msk $0xffff, v5  }
0x138: {  	[tilespmem:s17+$0x6430] =	vst.add.f32.msk $0xffff, v6  }
0x139: {  	[tilespmem:s17+$0x6440] =	vst.add.f32.msk $0xffff, v7  }
0x13a: {  	s18 =	simm.s32 $0x0;
	s20 =	sadd.s32 $0x1000, s11;
	[tilespmem:s17+$0x6450] =	vst.add.f32.msk $0xffff, v8  }
.LBB2_16:
0x13b: {  	s18 =	sadd.s32 $0x8, s18;
	[tilespmem:s17+$0x6460] =	vst.add.f32.msk $0xffff, v2;
	s17 =	sshra.s32 s20, $0x2  }
0x13c: {  	v2 =	vld [tilespmem:s17+$0xE470];
	p0 =	slt.u32 s18, $0x38  }
0x13d: {  	v3 =	vld [tilespmem:s17+$0xE400]  }
0x13e: {  	v4 =	vld [tilespmem:s17+$0xE410]  }
0x13f: {  	v5 =	vld [tilespmem:s17+$0xE420]  }
0x140: {  	v6 =	vld [tilespmem:s17+$0xE430]  }
0x141: {  	[tilespmem:s17+$0x6470] =	vst.add.f32.msk $0xffff, v2  }
0x142: {  	v7 =	vld [tilespmem:s17+$0xE440]  }
0x143: {  	v8 =	vld [tilespmem:s17+$0xE450]  }
0x144: {  	v2 =	vld [tilespmem:s17+$0xE460]  }
0x145: {  	[tilespmem:s17+$0x6400] =	vst.add.f32.msk $0xffff, v3  }
.Ltmp6:
0x146: {  	[tilespmem:s17+$0x6410] =	vst.add.f32.msk $0xffff, v4;
	(pc) =	sbr.rel @p0 .LBB2_16-.Ltmp6, $4  }
0x147: {  	[tilespmem:s17+$0x6420] =	vst.add.f32.msk $0xffff, v5  }
0x148: {  	[tilespmem:s17+$0x6430] =	vst.add.f32.msk $0xffff, v6  }
0x149: {  	[tilespmem:s17+$0x6440] =	vst.add.f32.msk $0xffff, v7  }
0x14a: {  	s20 =	sadd.s32 $0x1000, s20;
	[tilespmem:s17+$0x6450] =	vst.add.f32.msk $0xffff, v8  }
0x14b: {  	s16 =	sadd.s32 $0x1, s16  }
0x14c: {  	p0 =	sne.s32 s16, $0x8  }
.Ltmp7:
0x14d: {  	_ = 	snop;
	(pc) =	sbr.rel @p0 .LBB2_15-.Ltmp7, $2  }
0x14e: {  	_ =	sdelay $0x2  }
0x14f: {  	[tilespmem:s17+$0x6460] =	vst.add.f32.msk $0xffff, v2;
	s11 =	sadd.s32 $0x200, s11  }
0x150: {  	s13 =	sadd.s32 $0x1, s13  }
0x151: {  	p0 =	sne.s32 s13, $0x20  }
.Ltmp8:
0x152: {  	_ = 	snop;
	(pc) =	sbr.rel @p0 .LBB2_2-.Ltmp8, $4  }
0x153: {  	s11 =	sadd.s32 s7, s14  }
0x154: {  	s11 =	sshll.u32 s11, $0xA  }
0x155: {  	s11 =	sadd.s32 s4, s11  }
0x156: {  	[hbm4b:s11+s5] =	stream.linear.scatter [tilespmem:s19], [sflag:$0xC], $0x2000, $0x38;
	[tilespmem:$0x10400] =	vst v63  }
0x157: {  	s11 =	simm.s32 $0x9  }
0x158: {  	_ =	swait.ge [sflag:s11], $0x2000  }
0x159: {  	[sflag:s11] =	ssyncset.done $0x0  }
0x15a: {  	s20 =	simm.s32 $0xA;
	[sflag:s11] =	ssyncadd.s32 $0xFFFFE000  }
0x15b: {  	_ =	swait.ge [sflag:s20], $0x2000  }
0x15c: {  	[sflag:s20] =	ssyncset.done $0x0  }
0x15d: {  	s21 =	simm.s32 $0xB;
	[sflag:s20] =	ssyncadd.s32 $0xFFFFE000  }
0x15e: {  	_ =	swait.ge [sflag:s21], $0x2000  }
0x15f: {  	[sflag:s21] =	ssyncset.done $0x0  }
0x160: {  	s13 =	simm.s32 $0xC;
	[sflag:s21] =	ssyncadd.s32 $0xFFFFE000  }
0x161: {  	_ =	swait.ge [sflag:s13], $0x2000  }
0x162: {  	s14 =	rddreg [dreg:$0xa]  }
0x163: {  	s22 =	rddreg [dreg:$0x9];
	s14 =	sadd.s32 $0x1, s14  }
0x164: {  	p0 =	sne.s32 s14, s22  }
.Ltmp9:
0x165: {  	_ = 	snop;
	(pc) =	sbr.rel @p0 .LBB2_1-.Ltmp9, $3  }
0x166: {  	_ =	sdelay $0x1  }
0x167: {  	[sflag:s13] =	ssyncset.done $0x0  }
0x168: {  	[sflag:s13] =	ssyncadd.s32 $0xFFFFE000  }
0x169: {  	_ =	sfence.sel $0x180000  }
0x16a: {  	[bflag:$0x0] =	sbarrier.arrive $0xFFFF  }
0x16b: {  	_ =	strace $0x90000047  }
0x16c: {  	s0 =	stileid.u32;
	[bflag:$0x2] =	sbarrier.arrive $0xFFFF  }
0x16d: {  	p0 =	sne.s32 s0, $0x0;
	s0 =	rddreg [dreg:$0x4]  }
0x16e: {  	s0 =	sadd.s32 @!p0 $0x100000, s0  }
0x16f: {  	[sflag:s0] =	ssyncadd.tile.s32 @!p0 $0x1;
	_ =	shalt  }
.Lfunc_end2:
_tile_overlayer_lowered:
.L_overlay_start_2:
0x170: {  	(tag) =	ssettag $0x2  }
0x171: {  	s0 =	rddreg [dreg:$0x0];
	s2 =	stileid.u32  }
0x172: {  	s1 =	rddreg [dreg:$0x1];
	p0 =	sne.s32 s2, $0x0  }
0x173: {  	s3 =	rddreg [dreg:$0x2];
	[bflag:$0x3] =	sbarrier.arrive $0xFFFF;
	s2 =	simm.s32 @!p0 $0x1C0D  }
0x174: {  	[timem:s3], [sflag:s2] =	dma.local @!p0 [hbm:s0], s1  }
0x175: {  	s0 =	simm.s32 @!p0 $0xD  }
0x176: {  	_ =	swait.ge @!p0 [sflag:s0], s1  }
0x177: {  	s1 =	ssub.s32 @!p0 $0x0, s1;
	[sflag:s0] =	ssyncset.done @!p0 $0x0  }
0x178: {  	[sflag:s0] =	ssyncadd.s32 @!p0 s1  }
0x179: {  	[bflag:$0x3] =	sbarrier.arrive $0xFFFF  }
0x17a: {  	_ =	shalt  }

</sc_bundles>
